<compile_context>
chip_gen: v7x
topology: tpu7x:2x2x1
jax: 0.10.2.dev20260603
libtpu: 0.0.44.dev20260713+nightly
codegen_flags: <defaults>
</compile_context>

<pallas_src>
import functools

import jax
import jax.numpy as jnp
import numpy as np
from jax import lax
from jax.experimental import pallas as pl
from jax.experimental.pallas import tpu as pltpu
from jax.experimental.pallas import tpu_sc as plsc

_B, _I, _H, _C = 8, 224, 224, 96
_R = _B * _I
_NC, _NS = 2, 16
_NW = _NC * _NS
_RPW = _R // _NW
_IPAD = 64
_L = 16
_CH = _C // 2
_U = _RPW * 2
_NBUF = 8
_LOOK = 4

_PERM = np.array([
    183, 138, 166, 19, 76, 158, 219, 118, 143, 54, 189, 149, 90, 30, 7,
    96, 139, 155, 131, 121, 115, 6, 35, 23, 58, 128, 16, 21, 194, 213,
    156, 220, 77, 154, 160, 94, 116, 61, 38, 3, 185, 105, 132, 81, 26,
    32, 64, 37, 56, 51, 2, 193, 122, 63, 133, 52, 20, 89, 202, 95, 44,
    47, 123, 79, 84, 222, 144, 157, 135, 50, 140, 78, 179, 72, 163, 191,
    83, 42, 62, 152, 69, 53, 223, 148, 172, 215, 0, 201, 145, 8, 208,
    203, 167, 169, 159, 109, 181, 22, 178, 13, 29, 99, 110, 34, 70, 175,
    18, 103, 196, 141, 86, 142, 75, 198, 187, 206, 91, 111, 24, 113, 1,
    65, 48, 5, 45, 199, 165, 150, 49, 173, 214, 33, 216, 74, 55, 182,
    136, 60, 204, 119, 57, 124, 27, 112, 129, 209, 151, 10, 134, 192,
    186, 93, 176, 161, 68, 146, 15, 217, 73, 40, 210, 67, 88, 102, 107,
    66, 80, 100, 120, 211, 147, 71, 207, 17, 59, 184, 98, 108, 114, 36,
    125, 101, 218, 180, 92, 171, 153, 28, 46, 9, 104, 200, 117, 221, 4,
    177, 170, 190, 130, 12, 168, 195, 188, 87, 85, 212, 14, 174, 82, 31,
    106, 127, 162, 126, 164, 97, 41, 137, 197, 25, 43, 39, 11, 205,
], dtype=np.int32)


def _index_table() -> np.ndarray:
    r = np.arange(_R)
    gidx = ((r // _I) * _I + _PERM[r % _I]).astype(np.int32)
    gidx = gidx.reshape(_NW, _RPW)
    pad = np.zeros((_NW, _IPAD - _RPW), dtype=np.int32)
    return np.concatenate([gidx, pad], axis=1).reshape(_NW * _IPAD)


def _make_sc_shuffle():
    mesh = plsc.VectorSubcoreMesh(
        core_axis_name="c", subcore_axis_name="s",
        num_cores=_NC, num_subcores=_NS,
    )

    @functools.partial(
        pl.kernel,
        out_type=jax.ShapeDtypeStruct((_R, _C, _H), jnp.float32),
        mesh=mesh,
        compiler_params=pltpu.CompilerParams(
            use_tc_tiling_on_sc=True, needs_layout_passes=False
        ),
        scratch_types=[
            pltpu.VMEM((_IPAD,), jnp.int32),
            pltpu.VMEM((_NBUF, _CH, _H), jnp.float32),
            [pltpu.SemaphoreType.DMA] * _NBUF,
            [pltpu.SemaphoreType.DMA] * _NBUF,
        ],
    )
    def shuffle(in_hbm, idx_hbm, out_hbm, idx_v, buf, sem_gs, sem_ws):
        wid = lax.axis_index("s") * _NC + lax.axis_index("c")
        base = wid * _RPW
        pltpu.sync_copy(idx_hbm.at[pl.ds(wid * _IPAD, _IPAD)], idx_v)
        lanes = lax.iota(jnp.int32, _L)

        def _fire_gather(u0, j, b):
            g = u0 // 2 + j // 2
            h = (j % 2) * _CH
            word = pl.multiple_of((g // _L) * _L, _L)
            vec = idx_v[pl.ds(word, _L)]
            sel = jnp.where(lanes == g % _L, vec, 0)
            src = lax.reduce_max(sel, axes=(0,))
            pltpu.async_copy(
                in_hbm.at[src, pl.ds(h, _CH)], buf.at[b], sem_gs[b]
            )

        for b in range(_LOOK):
            _fire_gather(0, b, b)

        @pl.loop(0, _U, step=_NBUF)
        def _group(u0):
            for j in range(_NBUF):
                u = u0 + j
                nj = j + _LOOK
                nb = (j + _LOOK) % _NBUF

                @pl.when(u + _LOOK < _U)
                def _():
                    @pl.when(u + _LOOK >= _NBUF)
                    def _():
                        pltpu.make_async_copy(
                            buf.at[nb], out_hbm.at[base, pl.ds(0, _CH)],
                            sem_ws[nb]
                        ).wait()

                    _fire_gather(u0, nj, nb)

                pltpu.make_async_copy(
                    in_hbm.at[base, pl.ds(0, _CH)], buf.at[j], sem_gs[j]
                ).wait()
                g = u0 // 2 + j // 2
                h = (j % 2) * _CH
                pltpu.async_copy(
                    buf.at[j], out_hbm.at[base + g, pl.ds(h, _CH)],
                    sem_ws[j]
                )

        for b in range(_NBUF):
            pltpu.make_async_copy(
                buf.at[b], out_hbm.at[base, pl.ds(0, _CH)], sem_ws[b]
            ).wait()

    return shuffle


def kernel(inputs):
    x3 = jnp.transpose(inputs, (0, 1, 3, 2)).reshape(_R, _C, _H)
    idx = jnp.asarray(_index_table())
    out3 = _make_sc_shuffle()(x3, idx)
    return jnp.transpose(out3.reshape(_B, _I, _C, _H), (0, 1, 3, 2))

# --- scband reference (transcript-rebuilt; emitter-appended) ---
"""Pipeline reference for scband-shuffle-33389075759350 (READ-ONLY COPY).

The authoritative reference and input builder live on the scoring server;
editing this copy changes nothing except your own understanding.
"""

import jax, jax.numpy as jnp
import numpy as np


def setup_inputs(seed: int = 0) -> dict:
    key = jax.random.key(seed)
    x = jax.random.normal(key, (8, 224, 224, 96), dtype=jnp.float32)
    return {"inputs": x}


def reference(inputs):
    # Original: transpose to [d1,d2,d3,d0], tf.random.shuffle along axis 0
    # (which is axis 1 of the original tensor), then transpose back.
    # Net effect: permute the tensor along axis 1 with a random permutation.
    d1 = inputs.shape[1]
    perm = jax.random.permutation(jax.random.key(1), d1)
    # Faithful to the transpose/shuffle/transpose structure:
    outs_t = jnp.transpose(inputs, (1, 2, 3, 0))
    r_t = jnp.take(outs_t, perm, axis=0)
    r = jnp.transpose(r_t, (3, 0, 1, 2))
    return r

if __name__ == "__main__":
    import jax
    _d = setup_inputs()
    print(jax.jit(kernel)(*tuple(_d.values())))

</pallas_src>

<mosaic_0001>
#map = affine_map<(d0, d1) -> (0, 0, 0)>
#map1 = affine_map<(d0, d1) -> (0)>
module attributes {stable_mosaic.version = 14 : i64} {
  func.func @shuffle(%arg0: i32, %arg1: i32, %arg2: memref<1792x96x224xf32, #tpu.memory_space<hbm>>, %arg3: memref<2048xi32, #tpu.memory_space<hbm>>, %arg4: memref<1792x96x224xf32, #tpu.memory_space<hbm>>, %arg5: memref<64xi32, #tpu.memory_space<vmem>>, %arg6: memref<8x48x224xf32, #tpu.memory_space<vmem>>, %arg7: memref<!tpu.dma_semaphore, #tpu.memory_space<semaphore_mem>>, %arg8: memref<!tpu.dma_semaphore, #tpu.memory_space<semaphore_mem>>, %arg9: memref<!tpu.dma_semaphore, #tpu.memory_space<semaphore_mem>>, %arg10: memref<!tpu.dma_semaphore, #tpu.memory_space<semaphore_mem>>, %arg11: memref<!tpu.dma_semaphore, #tpu.memory_space<semaphore_mem>>, %arg12: memref<!tpu.dma_semaphore, #tpu.memory_space<semaphore_mem>>, %arg13: memref<!tpu.dma_semaphore, #tpu.memory_space<semaphore_mem>>, %arg14: memref<!tpu.dma_semaphore, #tpu.memory_space<semaphore_mem>>, %arg15: memref<!tpu.dma_semaphore, #tpu.memory_space<semaphore_mem>>, %arg16: memref<!tpu.dma_semaphore, #tpu.memory_space<semaphore_mem>>, %arg17: memref<!tpu.dma_semaphore, #tpu.memory_space<semaphore_mem>>, %arg18: memref<!tpu.dma_semaphore, #tpu.memory_space<semaphore_mem>>, %arg19: memref<!tpu.dma_semaphore, #tpu.memory_space<semaphore_mem>>, %arg20: memref<!tpu.dma_semaphore, #tpu.memory_space<semaphore_mem>>, %arg21: memref<!tpu.dma_semaphore, #tpu.memory_space<semaphore_mem>>, %arg22: memref<!tpu.dma_semaphore, #tpu.memory_space<semaphore_mem>>) attributes {dimension_semantics = [#tpu.dimension_semantics<core_parallel>, #tpu.dimension_semantics<subcore_parallel>], iteration_bounds = array<i64: 2, 16>, scalar_prefetch = 0 : i64, scratch_operands = 18 : i64, tpu.core_type = #tpu.core_type<sc_vector_subcore>, window_params = [{transform_indices = #map}, {transform_indices = #map1}, {transform_indices = #map}]} {
    %mul3A = arith.constant 2 : i32
    %mul3A_0 = arith.muli %arg1, %mul3A : i32
    %add3A = arith.addi %mul3A_0, %arg0 : i32
    %mul3A_1 = arith.constant 56 : i32
    %mul3A_2 = arith.muli %add3A, %mul3A_1 : i32
    %mul3A_3 = arith.constant 64 : i32
    %mul3A_4 = arith.muli %add3A, %mul3A_3 : i32
    "tpu.region"() ({
      %run_scoped3A = tpu.sem_alloc : memref<!tpu.dma_semaphore, #tpu.memory_space<semaphore_mem>>
      %dma_start3A_276 = tpu.memref_slice %arg3[%mul3A_4] : memref<2048xi32, #tpu.memory_space<hbm>> -> memref<64xi32, #tpu.memory_space<hbm>>
      %dma_start3A_277 = tpu.memref_slice %arg3[%mul3A_4] : memref<2048xi32, #tpu.memory_space<hbm>> -> memref<64xi32, #tpu.memory_space<hbm>>
      tpu.enqueue_dma source(%dma_start3A_277 : memref<64xi32, #tpu.memory_space<hbm>>) target(%arg5 : memref<64xi32, #tpu.memory_space<vmem>>) target_semaphore(%run_scoped3A : memref<!tpu.dma_semaphore, #tpu.memory_space<semaphore_mem>>)
      %dma_wait3A_278 = tpu.memref_slice %arg3[%mul3A_4] : memref<2048xi32, #tpu.memory_space<hbm>> -> memref<64xi32, #tpu.memory_space<hbm>>
      %dma_wait3A_279 = tpu.memref_slice %arg3[%mul3A_4] : memref<2048xi32, #tpu.memory_space<hbm>> -> memref<64xi32, #tpu.memory_space<hbm>>
      tpu.wait_dma2 semaphore(%run_scoped3A : memref<!tpu.dma_semaphore, #tpu.memory_space<semaphore_mem>>) src(%dma_wait3A_279 : memref<64xi32, #tpu.memory_space<hbm>>) dst(%arg5 : memref<64xi32, #tpu.memory_space<vmem>>)
      tpu.yield
    }) : () -> ()
    %iota3A = tpu.iota {dimensions = array<i32: 0>} : vector<16xi32>
    %multiple_of3A = arith.constant 0 : i32
    %multiple_of3A_5 = tpu.assume_multiple %multiple_of3A, 16 : i32
    %get3A = arith.index_cast %multiple_of3A_5 : i32 to index
    %get3A_6 = tpu.vector_load %arg5[%get3A] {strides = array<i32>} : memref<64xi32, #tpu.memory_space<vmem>>, vector<16xi32>,
    %eq3A = arith.constant 0 : i32
    %eq3A_7 = vector.broadcast %eq3A : i32 to vector<16xi32>
    %eq3A_8 = arith.cmpi eq, %iota3A, %eq3A_7 : vector<16xi32>
    %jit3A = arith.constant 0 : i32
    %broadcast_in_dim3A = vector.broadcast %jit3A : i32 to vector<16xi32>
    %select_n3A = arith.select %eq3A_8, %get3A_6, %broadcast_in_dim3A : vector<16xi1>, vector<16xi32>
    %reduce_max3A = arith.constant true
    %reduce_max3A_9 = vector.broadcast %reduce_max3A : i1 to vector<16xi1>
    %reduce_max3A_10 = arith.constant -2147483648 : i32
    %reduce_max3A_11 = vector.broadcast %reduce_max3A_10 : i32 to vector<16xi32>
    %reduce_max3A_12 = arith.xori %select_n3A, %reduce_max3A_11 : vector<16xi32>
    %reduce_max3A_13 = tpu.scan <max>, %reduce_max3A_12 masked %reduce_max3A_9 : vector<16xi32>, vector<16xi1> -> vector<16xi32>
    %reduce_max3A_14 = arith.xori %reduce_max3A_13, %reduce_max3A_11 : vector<16xi32>
    %reduce_max3A_15 = vector.extract %reduce_max3A_14[15] : i32 from vector<16xi32>
    %dma_start3A = arith.constant 0 : i32
    %dma_start3A_16 = arith.constant 0 : i32
    %dma_start3A_17 = arith.constant 0 : i32
    %dma_start3A_18 = tpu.memref_slice %arg6[%dma_start3A, %dma_start3A_16, %dma_start3A_17] : memref<8x48x224xf32, #tpu.memory_space<vmem>> -> memref<1x48x224xf32, #tpu.memory_space<vmem>>
    %dma_start3A_19 = tpu.memref_squeeze %dma_start3A_18 : memref<1x48x224xf32, #tpu.memory_space<vmem>> -> memref<48x224xf32, #tpu.memory_space<vmem>>
    %dma_start3A_20 = arith.constant 0 : i32
    %dma_start3A_21 = arith.constant 0 : i32
    %dma_start3A_22 = tpu.memref_slice %arg2[%reduce_max3A_15, %dma_start3A_20, %dma_start3A_21] : memref<1792x96x224xf32, #tpu.memory_space<hbm>> -> memref<1x48x224xf32, #tpu.memory_space<hbm>>
    %dma_start3A_23 = tpu.memref_squeeze %dma_start3A_22 : memref<1x48x224xf32, #tpu.memory_space<hbm>> -> memref<48x224xf32, #tpu.memory_space<hbm>>
    %dma_start3A_24 = arith.constant 0 : i32
    %dma_start3A_25 = arith.constant 0 : i32
    %dma_start3A_26 = tpu.memref_slice %arg6[%dma_start3A, %dma_start3A_24, %dma_start3A_25] : memref<8x48x224xf32, #tpu.memory_space<vmem>> -> memref<1x48x224xf32, #tpu.memory_space<vmem>>
    %dma_start3A_27 = tpu.memref_squeeze %dma_start3A_26 : memref<1x48x224xf32, #tpu.memory_space<vmem>> -> memref<48x224xf32, #tpu.memory_space<vmem>>
    %dma_start3A_28 = arith.constant 0 : i32
    %dma_start3A_29 = arith.constant 0 : i32
    %dma_start3A_30 = tpu.memref_slice %arg2[%reduce_max3A_15, %dma_start3A_28, %dma_start3A_29] : memref<1792x96x224xf32, #tpu.memory_space<hbm>> -> memref<1x48x224xf32, #tpu.memory_space<hbm>>
    %dma_start3A_31 = tpu.memref_squeeze %dma_start3A_30 : memref<1x48x224xf32, #tpu.memory_space<hbm>> -> memref<48x224xf32, #tpu.memory_space<hbm>>
    tpu.enqueue_dma source(%dma_start3A_31 : memref<48x224xf32, #tpu.memory_space<hbm>>) target(%dma_start3A_27 : memref<48x224xf32, #tpu.memory_space<vmem>>) target_semaphore(%arg7 : memref<!tpu.dma_semaphore, #tpu.memory_space<semaphore_mem>>)
    %multiple_of3A_32 = arith.constant 0 : i32
    %multiple_of3A_33 = tpu.assume_multiple %multiple_of3A_32, 16 : i32
    %get3A_34 = arith.index_cast %multiple_of3A_33 : i32 to index
    %get3A_35 = tpu.vector_load %arg5[%get3A_34] {strides = array<i32>} : memref<64xi32, #tpu.memory_space<vmem>>, vector<16xi32>,
    %eq3A_36 = arith.constant 0 : i32
    %eq3A_37 = vector.broadcast %eq3A_36 : i32 to vector<16xi32>
    %eq3A_38 = arith.cmpi eq, %iota3A, %eq3A_37 : vector<16xi32>
    %jit3A_39 = arith.constant 0 : i32
    %broadcast_in_dim3A_40 = vector.broadcast %jit3A_39 : i32 to vector<16xi32>
    %select_n3A_41 = arith.select %eq3A_38, %get3A_35, %broadcast_in_dim3A_40 : vector<16xi1>, vector<16xi32>
    %reduce_max3A_42 = arith.constant true
    %reduce_max3A_43 = vector.broadcast %reduce_max3A_42 : i1 to vector<16xi1>
    %reduce_max3A_44 = arith.constant -2147483648 : i32
    %reduce_max3A_45 = vector.broadcast %reduce_max3A_44 : i32 to vector<16xi32>
    %reduce_max3A_46 = arith.xori %select_n3A_41, %reduce_max3A_45 : vector<16xi32>
    %reduce_max3A_47 = tpu.scan <max>, %reduce_max3A_46 masked %reduce_max3A_43 : vector<16xi32>, vector<16xi1> -> vector<16xi32>
    %reduce_max3A_48 = arith.xori %reduce_max3A_47, %reduce_max3A_45 : vector<16xi32>
    %reduce_max3A_49 = vector.extract %reduce_max3A_48[15] : i32 from vector<16xi32>
    %dma_start3A_50 = arith.constant 1 : i32
    %dma_start3A_51 = arith.constant 0 : i32
    %dma_start3A_52 = arith.constant 0 : i32
    %dma_start3A_53 = tpu.memref_slice %arg6[%dma_start3A_50, %dma_start3A_51, %dma_start3A_52] : memref<8x48x224xf32, #tpu.memory_space<vmem>> -> memref<1x48x224xf32, #tpu.memory_space<vmem>>
    %dma_start3A_54 = tpu.memref_squeeze %dma_start3A_53 : memref<1x48x224xf32, #tpu.memory_space<vmem>> -> memref<48x224xf32, #tpu.memory_space<vmem>>
    %dma_start3A_55 = arith.constant 48 : i32
    %dma_start3A_56 = arith.constant 0 : i32
    %dma_start3A_57 = tpu.memref_slice %arg2[%reduce_max3A_49, %dma_start3A_55, %dma_start3A_56] : memref<1792x96x224xf32, #tpu.memory_space<hbm>> -> memref<1x48x224xf32, #tpu.memory_space<hbm>>
    %dma_start3A_58 = tpu.memref_squeeze %dma_start3A_57 : memref<1x48x224xf32, #tpu.memory_space<hbm>> -> memref<48x224xf32, #tpu.memory_space<hbm>>
    %dma_start3A_59 = arith.constant 0 : i32
    %dma_start3A_60 = arith.constant 0 : i32
    %dma_start3A_61 = tpu.memref_slice %arg6[%dma_start3A_50, %dma_start3A_59, %dma_start3A_60] : memref<8x48x224xf32, #tpu.memory_space<vmem>> -> memref<1x48x224xf32, #tpu.memory_space<vmem>>
    %dma_start3A_62 = tpu.memref_squeeze %dma_start3A_61 : memref<1x48x224xf32, #tpu.memory_space<vmem>> -> memref<48x224xf32, #tpu.memory_space<vmem>>
    %dma_start3A_63 = arith.constant 48 : i32
    %dma_start3A_64 = arith.constant 0 : i32
    %dma_start3A_65 = tpu.memref_slice %arg2[%reduce_max3A_49, %dma_start3A_63, %dma_start3A_64] : memref<1792x96x224xf32, #tpu.memory_space<hbm>> -> memref<1x48x224xf32, #tpu.memory_space<hbm>>
    %dma_start3A_66 = tpu.memref_squeeze %dma_start3A_65 : memref<1x48x224xf32, #tpu.memory_space<hbm>> -> memref<48x224xf32, #tpu.memory_space<hbm>>
    tpu.enqueue_dma source(%dma_start3A_66 : memref<48x224xf32, #tpu.memory_space<hbm>>) target(%dma_start3A_62 : memref<48x224xf32, #tpu.memory_space<vmem>>) target_semaphore(%arg8 : memref<!tpu.dma_semaphore, #tpu.memory_space<semaphore_mem>>)
    %multiple_of3A_67 = arith.constant 0 : i32
    %multiple_of3A_68 = tpu.assume_multiple %multiple_of3A_67, 16 : i32
    %get3A_69 = arith.index_cast %multiple_of3A_68 : i32 to index
    %get3A_70 = tpu.vector_load %arg5[%get3A_69] {strides = array<i32>} : memref<64xi32, #tpu.memory_space<vmem>>, vector<16xi32>,
    %eq3A_71 = arith.constant 1 : i32
    %eq3A_72 = vector.broadcast %eq3A_71 : i32 to vector<16xi32>
    %eq3A_73 = arith.cmpi eq, %iota3A, %eq3A_72 : vector<16xi32>
    %jit3A_74 = arith.constant 0 : i32
    %broadcast_in_dim3A_75 = vector.broadcast %jit3A_74 : i32 to vector<16xi32>
    %select_n3A_76 = arith.select %eq3A_73, %get3A_70, %broadcast_in_dim3A_75 : vector<16xi1>, vector<16xi32>
    %reduce_max3A_77 = arith.constant true
    %reduce_max3A_78 = vector.broadcast %reduce_max3A_77 : i1 to vector<16xi1>
    %reduce_max3A_79 = arith.constant -2147483648 : i32
    %reduce_max3A_80 = vector.broadcast %reduce_max3A_79 : i32 to vector<16xi32>
    %reduce_max3A_81 = arith.xori %select_n3A_76, %reduce_max3A_80 : vector<16xi32>
    %reduce_max3A_82 = tpu.scan <max>, %reduce_max3A_81 masked %reduce_max3A_78 : vector<16xi32>, vector<16xi1> -> vector<16xi32>
    %reduce_max3A_83 = arith.xori %reduce_max3A_82, %reduce_max3A_80 : vector<16xi32>
    %reduce_max3A_84 = vector.extract %reduce_max3A_83[15] : i32 from vector<16xi32>
    %dma_start3A_85 = arith.constant 2 : i32
    %dma_start3A_86 = arith.constant 0 : i32
    %dma_start3A_87 = arith.constant 0 : i32
    %dma_start3A_88 = tpu.memref_slice %arg6[%dma_start3A_85, %dma_start3A_86, %dma_start3A_87] : memref<8x48x224xf32, #tpu.memory_space<vmem>> -> memref<1x48x224xf32, #tpu.memory_space<vmem>>
    %dma_start3A_89 = tpu.memref_squeeze %dma_start3A_88 : memref<1x48x224xf32, #tpu.memory_space<vmem>> -> memref<48x224xf32, #tpu.memory_space<vmem>>
    %dma_start3A_90 = arith.constant 0 : i32
    %dma_start3A_91 = arith.constant 0 : i32
    %dma_start3A_92 = tpu.memref_slice %arg2[%reduce_max3A_84, %dma_start3A_90, %dma_start3A_91] : memref<1792x96x224xf32, #tpu.memory_space<hbm>> -> memref<1x48x224xf32, #tpu.memory_space<hbm>>
    %dma_start3A_93 = tpu.memref_squeeze %dma_start3A_92 : memref<1x48x224xf32, #tpu.memory_space<hbm>> -> memref<48x224xf32, #tpu.memory_space<hbm>>
    %dma_start3A_94 = arith.constant 0 : i32
    %dma_start3A_95 = arith.constant 0 : i32
    %dma_start3A_96 = tpu.memref_slice %arg6[%dma_start3A_85, %dma_start3A_94, %dma_start3A_95] : memref<8x48x224xf32, #tpu.memory_space<vmem>> -> memref<1x48x224xf32, #tpu.memory_space<vmem>>
    %dma_start3A_97 = tpu.memref_squeeze %dma_start3A_96 : memref<1x48x224xf32, #tpu.memory_space<vmem>> -> memref<48x224xf32, #tpu.memory_space<vmem>>
    %dma_start3A_98 = arith.constant 0 : i32
    %dma_start3A_99 = arith.constant 0 : i32
    %dma_start3A_100 = tpu.memref_slice %arg2[%reduce_max3A_84, %dma_start3A_98, %dma_start3A_99] : memref<1792x96x224xf32, #tpu.memory_space<hbm>> -> memref<1x48x224xf32, #tpu.memory_space<hbm>>
    %dma_start3A_101 = tpu.memref_squeeze %dma_start3A_100 : memref<1x48x224xf32, #tpu.memory_space<hbm>> -> memref<48x224xf32, #tpu.memory_space<hbm>>
    tpu.enqueue_dma source(%dma_start3A_101 : memref<48x224xf32, #tpu.memory_space<hbm>>) target(%dma_start3A_97 : memref<48x224xf32, #tpu.memory_space<vmem>>) target_semaphore(%arg9 : memref<!tpu.dma_semaphore, #tpu.memory_space<semaphore_mem>>)
    %multiple_of3A_102 = arith.constant 0 : i32
    %multiple_of3A_103 = tpu.assume_multiple %multiple_of3A_102, 16 : i32
    %get3A_104 = arith.index_cast %multiple_of3A_103 : i32 to index
    %get3A_105 = tpu.vector_load %arg5[%get3A_104] {strides = array<i32>} : memref<64xi32, #tpu.memory_space<vmem>>, vector<16xi32>,
    %eq3A_106 = arith.constant 1 : i32
    %eq3A_107 = vector.broadcast %eq3A_106 : i32 to vector<16xi32>
    %eq3A_108 = arith.cmpi eq, %iota3A, %eq3A_107 : vector<16xi32>
    %jit3A_109 = arith.constant 0 : i32
    %broadcast_in_dim3A_110 = vector.broadcast %jit3A_109 : i32 to vector<16xi32>
    %select_n3A_111 = arith.select %eq3A_108, %get3A_105, %broadcast_in_dim3A_110 : vector<16xi1>, vector<16xi32>
    %reduce_max3A_112 = arith.constant true
    %reduce_max3A_113 = vector.broadcast %reduce_max3A_112 : i1 to vector<16xi1>
    %reduce_max3A_114 = arith.constant -2147483648 : i32
    %reduce_max3A_115 = vector.broadcast %reduce_max3A_114 : i32 to vector<16xi32>
    %reduce_max3A_116 = arith.xori %select_n3A_111, %reduce_max3A_115 : vector<16xi32>
    %reduce_max3A_117 = tpu.scan <max>, %reduce_max3A_116 masked %reduce_max3A_113 : vector<16xi32>, vector<16xi1> -> vector<16xi32>
    %reduce_max3A_118 = arith.xori %reduce_max3A_117, %reduce_max3A_115 : vector<16xi32>
    %reduce_max3A_119 = vector.extract %reduce_max3A_118[15] : i32 from vector<16xi32>
    %dma_start3A_120 = arith.constant 3 : i32
    %dma_start3A_121 = arith.constant 0 : i32
    %dma_start3A_122 = arith.constant 0 : i32
    %dma_start3A_123 = tpu.memref_slice %arg6[%dma_start3A_120, %dma_start3A_121, %dma_start3A_122] : memref<8x48x224xf32, #tpu.memory_space<vmem>> -> memref<1x48x224xf32, #tpu.memory_space<vmem>>
    %dma_start3A_124 = tpu.memref_squeeze %dma_start3A_123 : memref<1x48x224xf32, #tpu.memory_space<vmem>> -> memref<48x224xf32, #tpu.memory_space<vmem>>
    %dma_start3A_125 = arith.constant 48 : i32
    %dma_start3A_126 = arith.constant 0 : i32
    %dma_start3A_127 = tpu.memref_slice %arg2[%reduce_max3A_119, %dma_start3A_125, %dma_start3A_126] : memref<1792x96x224xf32, #tpu.memory_space<hbm>> -> memref<1x48x224xf32, #tpu.memory_space<hbm>>
    %dma_start3A_128 = tpu.memref_squeeze %dma_start3A_127 : memref<1x48x224xf32, #tpu.memory_space<hbm>> -> memref<48x224xf32, #tpu.memory_space<hbm>>
    %dma_start3A_129 = arith.constant 0 : i32
    %dma_start3A_130 = arith.constant 0 : i32
    %dma_start3A_131 = tpu.memref_slice %arg6[%dma_start3A_120, %dma_start3A_129, %dma_start3A_130] : memref<8x48x224xf32, #tpu.memory_space<vmem>> -> memref<1x48x224xf32, #tpu.memory_space<vmem>>
    %dma_start3A_132 = tpu.memref_squeeze %dma_start3A_131 : memref<1x48x224xf32, #tpu.memory_space<vmem>> -> memref<48x224xf32, #tpu.memory_space<vmem>>
    %dma_start3A_133 = arith.constant 48 : i32
    %dma_start3A_134 = arith.constant 0 : i32
    %dma_start3A_135 = tpu.memref_slice %arg2[%reduce_max3A_119, %dma_start3A_133, %dma_start3A_134] : memref<1792x96x224xf32, #tpu.memory_space<hbm>> -> memref<1x48x224xf32, #tpu.memory_space<hbm>>
    %dma_start3A_136 = tpu.memref_squeeze %dma_start3A_135 : memref<1x48x224xf32, #tpu.memory_space<hbm>> -> memref<48x224xf32, #tpu.memory_space<hbm>>
    tpu.enqueue_dma source(%dma_start3A_136 : memref<48x224xf32, #tpu.memory_space<hbm>>) target(%dma_start3A_132 : memref<48x224xf32, #tpu.memory_space<vmem>>) target_semaphore(%arg10 : memref<!tpu.dma_semaphore, #tpu.memory_space<semaphore_mem>>)
    %scan3A = arith.constant 0 : i32
    %scan3A_137 = arith.constant 14 : i32
    %scan3A_138 = arith.addi %scan3A, %scan3A_137 : i32
    %scan3A_139 = arith.constant 1 : i32
    scf.for %scan3A_276 = %scan3A to %scan3A_138 step %scan3A_139  : i32 {
      %mul3A_277 = arith.constant 8 : i32
      %mul3A_278 = arith.muli %scan3A_276, %mul3A_277 : i32
      %add3A_279 = arith.constant 0 : i32
      %add3A_280 = arith.addi %add3A_279, %mul3A_278 : i32
      %add3A_281 = arith.constant 0 : i32
      %add3A_282 = arith.addi %add3A_280, %add3A_281 : i32
      %add3A_283 = arith.constant 4 : i32
      %add3A_284 = arith.addi %add3A_282, %add3A_283 : i32
      %lt3A = arith.constant 112 : i32
      %lt3A_285 = arith.cmpi slt, %add3A_284, %lt3A : i32
      %convert_element_type3A = arith.extui %lt3A_285 : i1 to i32
      %cond3A = arith.constant 0 : i32
      %cond3A_286 = arith.cmpi ne, %convert_element_type3A, %cond3A : i32
      scf.if %cond3A_286 {
        %add3A_832 = arith.constant 4 : i32
        %add3A_833 = arith.addi %add3A_282, %add3A_832 : i32
        %ge3A = arith.constant 8 : i32
        %ge3A_834 = arith.cmpi sge, %add3A_833, %ge3A : i32
        %convert_element_type3A_835 = arith.extui %ge3A_834 : i1 to i32
        %cond3A_836 = arith.constant 0 : i32
        %cond3A_837 = arith.cmpi ne, %convert_element_type3A_835, %cond3A_836 : i32
        scf.if %cond3A_837 {
          %dma_wait3A_939 = arith.constant 4 : i32
          %dma_wait3A_940 = arith.constant 0 : i32
          %dma_wait3A_941 = arith.constant 0 : i32
          %dma_wait3A_942 = tpu.memref_slice %arg6[%dma_wait3A_939, %dma_wait3A_940, %dma_wait3A_941] : memref<8x48x224xf32, #tpu.memory_space<vmem>> -> memref<1x48x224xf32, #tpu.memory_space<vmem>>
          %dma_wait3A_943 = tpu.memref_squeeze %dma_wait3A_942 : memref<1x48x224xf32, #tpu.memory_space<vmem>> -> memref<48x224xf32, #tpu.memory_space<vmem>>
          %dma_wait3A_944 = arith.constant 0 : i32
          %dma_wait3A_945 = arith.constant 0 : i32
          %dma_wait3A_946 = tpu.memref_slice %arg4[%mul3A_2, %dma_wait3A_944, %dma_wait3A_945] : memref<1792x96x224xf32, #tpu.memory_space<hbm>> -> memref<1x48x224xf32, #tpu.memory_space<hbm>>
          %dma_wait3A_947 = tpu.memref_squeeze %dma_wait3A_946 : memref<1x48x224xf32, #tpu.memory_space<hbm>> -> memref<48x224xf32, #tpu.memory_space<hbm>>
          %dma_wait3A_948 = arith.constant 0 : i32
          %dma_wait3A_949 = arith.constant 0 : i32
          %dma_wait3A_950 = tpu.memref_slice %arg4[%mul3A_2, %dma_wait3A_948, %dma_wait3A_949] : memref<1792x96x224xf32, #tpu.memory_space<hbm>> -> memref<1x48x224xf32, #tpu.memory_space<hbm>>
          %dma_wait3A_951 = tpu.memref_squeeze %dma_wait3A_950 : memref<1x48x224xf32, #tpu.memory_space<hbm>> -> memref<48x224xf32, #tpu.memory_space<hbm>>
          %dma_wait3A_952 = arith.constant 0 : i32
          %dma_wait3A_953 = arith.constant 0 : i32
          %dma_wait3A_954 = tpu.memref_slice %arg6[%dma_wait3A_939, %dma_wait3A_952, %dma_wait3A_953] : memref<8x48x224xf32, #tpu.memory_space<vmem>> -> memref<1x48x224xf32, #tpu.memory_space<vmem>>
          %dma_wait3A_955 = tpu.memref_squeeze %dma_wait3A_954 : memref<1x48x224xf32, #tpu.memory_space<vmem>> -> memref<48x224xf32, #tpu.memory_space<vmem>>
          tpu.wait_dma2 semaphore(%arg19 : memref<!tpu.dma_semaphore, #tpu.memory_space<semaphore_mem>>) src(%dma_wait3A_955 : memref<48x224xf32, #tpu.memory_space<vmem>>) dst(%dma_wait3A_951 : memref<48x224xf32, #tpu.memory_space<hbm>>)
        } else {
        }
        %jit3A_838 = arith.constant 2 : i32
        %div3A_839 = arith.divsi %add3A_280, %jit3A_838 : i32
        %sign3A_840 = arith.constant 0 : i32
        %sign3A_841 = arith.cmpi sgt, %add3A_280, %sign3A_840 : i32
        %sign3A_842 = arith.extui %sign3A_841 : i1 to i32
        %sign3A_843 = arith.constant 0 : i32
        %sign3A_844 = arith.cmpi slt, %add3A_280, %sign3A_843 : i32
        %sign3A_845 = arith.extui %sign3A_844 : i1 to i32
        %sign3A_846 = arith.subi %sign3A_842, %sign3A_845 : i32
        %sign3A_847 = arith.constant 0 : i32
        %sign3A_848 = arith.cmpi sgt, %jit3A_838, %sign3A_847 : i32
        %sign3A_849 = arith.extui %sign3A_848 : i1 to i32
        %sign3A_850 = arith.constant 0 : i32
        %sign3A_851 = arith.cmpi slt, %jit3A_838, %sign3A_850 : i32
        %sign3A_852 = arith.extui %sign3A_851 : i1 to i32
        %sign3A_853 = arith.subi %sign3A_849, %sign3A_852 : i32
        %ne3A_854 = arith.cmpi ne, %sign3A_846, %sign3A_853 : i32
        %rem3A_855 = arith.remsi %add3A_280, %jit3A_838 : i32
        %ne3A_856 = arith.constant 0 : i32
        %ne3A_857 = arith.cmpi ne, %rem3A_855, %ne3A_856 : i32
        %and3A_858 = arith.andi %ne3A_854, %ne3A_857 : i1
        %sub3A_859 = arith.constant 1 : i32
        %sub3A_860 = arith.subi %div3A_839, %sub3A_859 : i32
        %select_n3A_861 = arith.select %and3A_858, %sub3A_860, %div3A_839 : i32
        %add3A_862 = arith.constant 2 : i32
        %add3A_863 = arith.addi %select_n3A_861, %add3A_862 : i32
        %jit3A_864 = arith.constant 16 : i32
        %div3A_865 = arith.divsi %add3A_863, %jit3A_864 : i32
        %sign3A_866 = arith.constant 0 : i32
        %sign3A_867 = arith.cmpi sgt, %add3A_863, %sign3A_866 : i32
        %sign3A_868 = arith.extui %sign3A_867 : i1 to i32
        %sign3A_869 = arith.constant 0 : i32
        %sign3A_870 = arith.cmpi slt, %add3A_863, %sign3A_869 : i32
        %sign3A_871 = arith.extui %sign3A_870 : i1 to i32
        %sign3A_872 = arith.subi %sign3A_868, %sign3A_871 : i32
        %sign3A_873 = arith.constant 0 : i32
        %sign3A_874 = arith.cmpi sgt, %jit3A_864, %sign3A_873 : i32
        %sign3A_875 = arith.extui %sign3A_874 : i1 to i32
        %sign3A_876 = arith.constant 0 : i32
        %sign3A_877 = arith.cmpi slt, %jit3A_864, %sign3A_876 : i32
        %sign3A_878 = arith.extui %sign3A_877 : i1 to i32
        %sign3A_879 = arith.subi %sign3A_875, %sign3A_878 : i32
        %ne3A_880 = arith.cmpi ne, %sign3A_872, %sign3A_879 : i32
        %rem3A_881 = arith.remsi %add3A_863, %jit3A_864 : i32
        %ne3A_882 = arith.constant 0 : i32
        %ne3A_883 = arith.cmpi ne, %rem3A_881, %ne3A_882 : i32
        %and3A_884 = arith.andi %ne3A_880, %ne3A_883 : i1
        %sub3A_885 = arith.constant 1 : i32
        %sub3A_886 = arith.subi %div3A_865, %sub3A_885 : i32
        %select_n3A_887 = arith.select %and3A_884, %sub3A_886, %div3A_865 : i32
        %mul3A_888 = arith.constant 16 : i32
        %mul3A_889 = arith.muli %select_n3A_887, %mul3A_888 : i32
        %multiple_of3A_890 = tpu.assume_multiple %mul3A_889, 16 : i32
        %get3A_891 = arith.index_cast %multiple_of3A_890 : i32 to index
        %get3A_892 = tpu.vector_load %arg5[%get3A_891] {strides = array<i32>} : memref<64xi32, #tpu.memory_space<vmem>>, vector<16xi32>,
        %jit3A_893 = arith.constant 16 : i32
        %eq3A_894 = arith.constant 0 : i32
        %eq3A_895 = arith.cmpi eq, %jit3A_893, %eq3A_894 : i32
        %jit3A_896 = arith.constant 1 : i32
        %select_n3A_897 = arith.select %eq3A_895, %jit3A_896, %jit3A_893 : i32
        %rem3A_898 = arith.remsi %add3A_863, %select_n3A_897 : i32
        %ne3A_899 = arith.constant 0 : i32
        %ne3A_900 = arith.cmpi ne, %rem3A_898, %ne3A_899 : i32
        %lt3A_901 = arith.constant 0 : i32
        %lt3A_902 = arith.cmpi slt, %rem3A_898, %lt3A_901 : i32
        %lt3A_903 = arith.constant 0 : i32
        %lt3A_904 = arith.cmpi slt, %select_n3A_897, %lt3A_903 : i32
        %ne3A_905 = arith.xori %lt3A_902, %lt3A_904 : i1
        %and3A_906 = arith.andi %ne3A_905, %ne3A_900 : i1
        %add3A_907 = arith.addi %rem3A_898, %select_n3A_897 : i32
        %select_n3A_908 = arith.select %and3A_906, %add3A_907, %rem3A_898 : i32
        %eq3A_909 = vector.broadcast %select_n3A_908 : i32 to vector<16xi32>
        %eq3A_910 = arith.cmpi eq, %iota3A, %eq3A_909 : vector<16xi32>
        %jit3A_911 = arith.constant 0 : i32
        %broadcast_in_dim3A_912 = vector.broadcast %jit3A_911 : i32 to vector<16xi32>
        %select_n3A_913 = arith.select %eq3A_910, %get3A_892, %broadcast_in_dim3A_912 : vector<16xi1>, vector<16xi32>
        %reduce_max3A_914 = arith.constant true
        %reduce_max3A_915 = vector.broadcast %reduce_max3A_914 : i1 to vector<16xi1>
        %reduce_max3A_916 = arith.constant -2147483648 : i32
        %reduce_max3A_917 = vector.broadcast %reduce_max3A_916 : i32 to vector<16xi32>
        %reduce_max3A_918 = arith.xori %select_n3A_913, %reduce_max3A_917 : vector<16xi32>
        %reduce_max3A_919 = tpu.scan <max>, %reduce_max3A_918 masked %reduce_max3A_915 : vector<16xi32>, vector<16xi1> -> vector<16xi32>
        %reduce_max3A_920 = arith.xori %reduce_max3A_919, %reduce_max3A_917 : vector<16xi32>
        %reduce_max3A_921 = vector.extract %reduce_max3A_920[15] : i32 from vector<16xi32>
        %dma_start3A_922 = arith.constant 4 : i32
        %dma_start3A_923 = arith.constant 0 : i32
        %dma_start3A_924 = arith.constant 0 : i32
        %dma_start3A_925 = tpu.memref_slice %arg6[%dma_start3A_922, %dma_start3A_923, %dma_start3A_924] : memref<8x48x224xf32, #tpu.memory_space<vmem>> -> memref<1x48x224xf32, #tpu.memory_space<vmem>>
        %dma_start3A_926 = tpu.memref_squeeze %dma_start3A_925 : memref<1x48x224xf32, #tpu.memory_space<vmem>> -> memref<48x224xf32, #tpu.memory_space<vmem>>
        %dma_start3A_927 = arith.constant 0 : i32
        %dma_start3A_928 = arith.constant 0 : i32
        %dma_start3A_929 = tpu.memref_slice %arg2[%reduce_max3A_921, %dma_start3A_927, %dma_start3A_928] : memref<1792x96x224xf32, #tpu.memory_space<hbm>> -> memref<1x48x224xf32, #tpu.memory_space<hbm>>
        %dma_start3A_930 = tpu.memref_squeeze %dma_start3A_929 : memref<1x48x224xf32, #tpu.memory_space<hbm>> -> memref<48x224xf32, #tpu.memory_space<hbm>>
        %dma_start3A_931 = arith.constant 0 : i32
        %dma_start3A_932 = arith.constant 0 : i32
        %dma_start3A_933 = tpu.memref_slice %arg6[%dma_start3A_922, %dma_start3A_931, %dma_start3A_932] : memref<8x48x224xf32, #tpu.memory_space<vmem>> -> memref<1x48x224xf32, #tpu.memory_space<vmem>>
        %dma_start3A_934 = tpu.memref_squeeze %dma_start3A_933 : memref<1x48x224xf32, #tpu.memory_space<vmem>> -> memref<48x224xf32, #tpu.memory_space<vmem>>
        %dma_start3A_935 = arith.constant 0 : i32
        %dma_start3A_936 = arith.constant 0 : i32
        %dma_start3A_937 = tpu.memref_slice %arg2[%reduce_max3A_921, %dma_start3A_935, %dma_start3A_936] : memref<1792x96x224xf32, #tpu.memory_space<hbm>> -> memref<1x48x224xf32, #tpu.memory_space<hbm>>
        %dma_start3A_938 = tpu.memref_squeeze %dma_start3A_937 : memref<1x48x224xf32, #tpu.memory_space<hbm>> -> memref<48x224xf32, #tpu.memory_space<hbm>>
        tpu.enqueue_dma source(%dma_start3A_938 : memref<48x224xf32, #tpu.memory_space<hbm>>) target(%dma_start3A_934 : memref<48x224xf32, #tpu.memory_space<vmem>>) target_semaphore(%arg11 : memref<!tpu.dma_semaphore, #tpu.memory_space<semaphore_mem>>)
      } else {
      }
      %dma_wait3A_287 = arith.constant 0 : i32
      %dma_wait3A_288 = arith.constant 0 : i32
      %dma_wait3A_289 = arith.constant 0 : i32
      %dma_wait3A_290 = tpu.memref_slice %arg6[%dma_wait3A_287, %dma_wait3A_288, %dma_wait3A_289] : memref<8x48x224xf32, #tpu.memory_space<vmem>> -> memref<1x48x224xf32, #tpu.memory_space<vmem>>
      %dma_wait3A_291 = tpu.memref_squeeze %dma_wait3A_290 : memref<1x48x224xf32, #tpu.memory_space<vmem>> -> memref<48x224xf32, #tpu.memory_space<vmem>>
      %dma_wait3A_292 = arith.constant 0 : i32
      %dma_wait3A_293 = arith.constant 0 : i32
      %dma_wait3A_294 = tpu.memref_slice %arg2[%mul3A_2, %dma_wait3A_292, %dma_wait3A_293] : memref<1792x96x224xf32, #tpu.memory_space<hbm>> -> memref<1x48x224xf32, #tpu.memory_space<hbm>>
      %dma_wait3A_295 = tpu.memref_squeeze %dma_wait3A_294 : memref<1x48x224xf32, #tpu.memory_space<hbm>> -> memref<48x224xf32, #tpu.memory_space<hbm>>
      %dma_wait3A_296 = arith.constant 0 : i32
      %dma_wait3A_297 = arith.constant 0 : i32
      %dma_wait3A_298 = tpu.memref_slice %arg6[%dma_wait3A_287, %dma_wait3A_296, %dma_wait3A_297] : memref<8x48x224xf32, #tpu.memory_space<vmem>> -> memref<1x48x224xf32, #tpu.memory_space<vmem>>
      %dma_wait3A_299 = tpu.memref_squeeze %dma_wait3A_298 : memref<1x48x224xf32, #tpu.memory_space<vmem>> -> memref<48x224xf32, #tpu.memory_space<vmem>>
      %dma_wait3A_300 = arith.constant 0 : i32
      %dma_wait3A_301 = arith.constant 0 : i32
      %dma_wait3A_302 = tpu.memref_slice %arg2[%mul3A_2, %dma_wait3A_300, %dma_wait3A_301] : memref<1792x96x224xf32, #tpu.memory_space<hbm>> -> memref<1x48x224xf32, #tpu.memory_space<hbm>>
      %dma_wait3A_303 = tpu.memref_squeeze %dma_wait3A_302 : memref<1x48x224xf32, #tpu.memory_space<hbm>> -> memref<48x224xf32, #tpu.memory_space<hbm>>
      tpu.wait_dma2 semaphore(%arg7 : memref<!tpu.dma_semaphore, #tpu.memory_space<semaphore_mem>>) src(%dma_wait3A_303 : memref<48x224xf32, #tpu.memory_space<hbm>>) dst(%dma_wait3A_299 : memref<48x224xf32, #tpu.memory_space<vmem>>)
      %jit3A_304 = arith.constant 2 : i32
      %div3A = arith.divsi %add3A_280, %jit3A_304 : i32
      %sign3A = arith.constant 0 : i32
      %sign3A_305 = arith.cmpi sgt, %add3A_280, %sign3A : i32
      %sign3A_306 = arith.extui %sign3A_305 : i1 to i32
      %sign3A_307 = arith.constant 0 : i32
      %sign3A_308 = arith.cmpi slt, %add3A_280, %sign3A_307 : i32
      %sign3A_309 = arith.extui %sign3A_308 : i1 to i32
      %sign3A_310 = arith.subi %sign3A_306, %sign3A_309 : i32
      %sign3A_311 = arith.constant 0 : i32
      %sign3A_312 = arith.cmpi sgt, %jit3A_304, %sign3A_311 : i32
      %sign3A_313 = arith.extui %sign3A_312 : i1 to i32
      %sign3A_314 = arith.constant 0 : i32
      %sign3A_315 = arith.cmpi slt, %jit3A_304, %sign3A_314 : i32
      %sign3A_316 = arith.extui %sign3A_315 : i1 to i32
      %sign3A_317 = arith.subi %sign3A_313, %sign3A_316 : i32
      %ne3A = arith.cmpi ne, %sign3A_310, %sign3A_317 : i32
      %rem3A = arith.remsi %add3A_280, %jit3A_304 : i32
      %ne3A_318 = arith.constant 0 : i32
      %ne3A_319 = arith.cmpi ne, %rem3A, %ne3A_318 : i32
      %and3A = arith.andi %ne3A, %ne3A_319 : i1
      %sub3A = arith.constant 1 : i32
      %sub3A_320 = arith.subi %div3A, %sub3A : i32
      %select_n3A_321 = arith.select %and3A, %sub3A_320, %div3A : i32
      %add3A_322 = arith.constant 0 : i32
      %add3A_323 = arith.addi %select_n3A_321, %add3A_322 : i32
      %add3A_324 = arith.addi %mul3A_2, %add3A_323 : i32
      %dma_start3A_325 = arith.constant 0 : i32
      %dma_start3A_326 = arith.constant 0 : i32
      %dma_start3A_327 = arith.constant 0 : i32
      %dma_start3A_328 = tpu.memref_slice %arg6[%dma_start3A_325, %dma_start3A_326, %dma_start3A_327] : memref<8x48x224xf32, #tpu.memory_space<vmem>> -> memref<1x48x224xf32, #tpu.memory_space<vmem>>
      %dma_start3A_329 = tpu.memref_squeeze %dma_start3A_328 : memref<1x48x224xf32, #tpu.memory_space<vmem>> -> memref<48x224xf32, #tpu.memory_space<vmem>>
      %dma_start3A_330 = arith.constant 0 : i32
      %dma_start3A_331 = arith.constant 0 : i32
      %dma_start3A_332 = tpu.memref_slice %arg4[%add3A_324, %dma_start3A_330, %dma_start3A_331] : memref<1792x96x224xf32, #tpu.memory_space<hbm>> -> memref<1x48x224xf32, #tpu.memory_space<hbm>>
      %dma_start3A_333 = tpu.memref_squeeze %dma_start3A_332 : memref<1x48x224xf32, #tpu.memory_space<hbm>> -> memref<48x224xf32, #tpu.memory_space<hbm>>
      %dma_start3A_334 = arith.constant 0 : i32
      %dma_start3A_335 = arith.constant 0 : i32
      %dma_start3A_336 = tpu.memref_slice %arg4[%add3A_324, %dma_start3A_334, %dma_start3A_335] : memref<1792x96x224xf32, #tpu.memory_space<hbm>> -> memref<1x48x224xf32, #tpu.memory_space<hbm>>
      %dma_start3A_337 = tpu.memref_squeeze %dma_start3A_336 : memref<1x48x224xf32, #tpu.memory_space<hbm>> -> memref<48x224xf32, #tpu.memory_space<hbm>>
      %dma_start3A_338 = arith.constant 0 : i32
      %dma_start3A_339 = arith.constant 0 : i32
      %dma_start3A_340 = tpu.memref_slice %arg6[%dma_start3A_325, %dma_start3A_338, %dma_start3A_339] : memref<8x48x224xf32, #tpu.memory_space<vmem>> -> memref<1x48x224xf32, #tpu.memory_space<vmem>>
      %dma_start3A_341 = tpu.memref_squeeze %dma_start3A_340 : memref<1x48x224xf32, #tpu.memory_space<vmem>> -> memref<48x224xf32, #tpu.memory_space<vmem>>
      tpu.enqueue_dma source(%dma_start3A_341 : memref<48x224xf32, #tpu.memory_space<vmem>>) target(%dma_start3A_337 : memref<48x224xf32, #tpu.memory_space<hbm>>) target_semaphore(%arg15 : memref<!tpu.dma_semaphore, #tpu.memory_space<semaphore_mem>>)
      %add3A_342 = arith.constant 1 : i32
      %add3A_343 = arith.addi %add3A_280, %add3A_342 : i32
      %add3A_344 = arith.constant 4 : i32
      %add3A_345 = arith.addi %add3A_343, %add3A_344 : i32
      %lt3A_346 = arith.constant 112 : i32
      %lt3A_347 = arith.cmpi slt, %add3A_345, %lt3A_346 : i32
      %convert_element_type3A_348 = arith.extui %lt3A_347 : i1 to i32
      %cond3A_349 = arith.constant 0 : i32
      %cond3A_350 = arith.cmpi ne, %convert_element_type3A_348, %cond3A_349 : i32
      scf.if %cond3A_350 {
        %add3A_832 = arith.constant 4 : i32
        %add3A_833 = arith.addi %add3A_343, %add3A_832 : i32
        %ge3A = arith.constant 8 : i32
        %ge3A_834 = arith.cmpi sge, %add3A_833, %ge3A : i32
        %convert_element_type3A_835 = arith.extui %ge3A_834 : i1 to i32
        %cond3A_836 = arith.constant 0 : i32
        %cond3A_837 = arith.cmpi ne, %convert_element_type3A_835, %cond3A_836 : i32
        scf.if %cond3A_837 {
          %dma_wait3A_939 = arith.constant 5 : i32
          %dma_wait3A_940 = arith.constant 0 : i32
          %dma_wait3A_941 = arith.constant 0 : i32
          %dma_wait3A_942 = tpu.memref_slice %arg6[%dma_wait3A_939, %dma_wait3A_940, %dma_wait3A_941] : memref<8x48x224xf32, #tpu.memory_space<vmem>> -> memref<1x48x224xf32, #tpu.memory_space<vmem>>
          %dma_wait3A_943 = tpu.memref_squeeze %dma_wait3A_942 : memref<1x48x224xf32, #tpu.memory_space<vmem>> -> memref<48x224xf32, #tpu.memory_space<vmem>>
          %dma_wait3A_944 = arith.constant 0 : i32
          %dma_wait3A_945 = arith.constant 0 : i32
          %dma_wait3A_946 = tpu.memref_slice %arg4[%mul3A_2, %dma_wait3A_944, %dma_wait3A_945] : memref<1792x96x224xf32, #tpu.memory_space<hbm>> -> memref<1x48x224xf32, #tpu.memory_space<hbm>>
          %dma_wait3A_947 = tpu.memref_squeeze %dma_wait3A_946 : memref<1x48x224xf32, #tpu.memory_space<hbm>> -> memref<48x224xf32, #tpu.memory_space<hbm>>
          %dma_wait3A_948 = arith.constant 0 : i32
          %dma_wait3A_949 = arith.constant 0 : i32
          %dma_wait3A_950 = tpu.memref_slice %arg4[%mul3A_2, %dma_wait3A_948, %dma_wait3A_949] : memref<1792x96x224xf32, #tpu.memory_space<hbm>> -> memref<1x48x224xf32, #tpu.memory_space<hbm>>
          %dma_wait3A_951 = tpu.memref_squeeze %dma_wait3A_950 : memref<1x48x224xf32, #tpu.memory_space<hbm>> -> memref<48x224xf32, #tpu.memory_space<hbm>>
          %dma_wait3A_952 = arith.constant 0 : i32
          %dma_wait3A_953 = arith.constant 0 : i32
          %dma_wait3A_954 = tpu.memref_slice %arg6[%dma_wait3A_939, %dma_wait3A_952, %dma_wait3A_953] : memref<8x48x224xf32, #tpu.memory_space<vmem>> -> memref<1x48x224xf32, #tpu.memory_space<vmem>>
          %dma_wait3A_955 = tpu.memref_squeeze %dma_wait3A_954 : memref<1x48x224xf32, #tpu.memory_space<vmem>> -> memref<48x224xf32, #tpu.memory_space<vmem>>
          tpu.wait_dma2 semaphore(%arg20 : memref<!tpu.dma_semaphore, #tpu.memory_space<semaphore_mem>>) src(%dma_wait3A_955 : memref<48x224xf32, #tpu.memory_space<vmem>>) dst(%dma_wait3A_951 : memref<48x224xf32, #tpu.memory_space<hbm>>)
        } else {
        }
        %jit3A_838 = arith.constant 2 : i32
        %div3A_839 = arith.divsi %add3A_280, %jit3A_838 : i32
        %sign3A_840 = arith.constant 0 : i32
        %sign3A_841 = arith.cmpi sgt, %add3A_280, %sign3A_840 : i32
        %sign3A_842 = arith.extui %sign3A_841 : i1 to i32
        %sign3A_843 = arith.constant 0 : i32
        %sign3A_844 = arith.cmpi slt, %add3A_280, %sign3A_843 : i32
        %sign3A_845 = arith.extui %sign3A_844 : i1 to i32
        %sign3A_846 = arith.subi %sign3A_842, %sign3A_845 : i32
        %sign3A_847 = arith.constant 0 : i32
        %sign3A_848 = arith.cmpi sgt, %jit3A_838, %sign3A_847 : i32
        %sign3A_849 = arith.extui %sign3A_848 : i1 to i32
        %sign3A_850 = arith.constant 0 : i32
        %sign3A_851 = arith.cmpi slt, %jit3A_838, %sign3A_850 : i32
        %sign3A_852 = arith.extui %sign3A_851 : i1 to i32
        %sign3A_853 = arith.subi %sign3A_849, %sign3A_852 : i32
        %ne3A_854 = arith.cmpi ne, %sign3A_846, %sign3A_853 : i32
        %rem3A_855 = arith.remsi %add3A_280, %jit3A_838 : i32
        %ne3A_856 = arith.constant 0 : i32
        %ne3A_857 = arith.cmpi ne, %rem3A_855, %ne3A_856 : i32
        %and3A_858 = arith.andi %ne3A_854, %ne3A_857 : i1
        %sub3A_859 = arith.constant 1 : i32
        %sub3A_860 = arith.subi %div3A_839, %sub3A_859 : i32
        %select_n3A_861 = arith.select %and3A_858, %sub3A_860, %div3A_839 : i32
        %add3A_862 = arith.constant 2 : i32
        %add3A_863 = arith.addi %select_n3A_861, %add3A_862 : i32
        %jit3A_864 = arith.constant 16 : i32
        %div3A_865 = arith.divsi %add3A_863, %jit3A_864 : i32
        %sign3A_866 = arith.constant 0 : i32
        %sign3A_867 = arith.cmpi sgt, %add3A_863, %sign3A_866 : i32
        %sign3A_868 = arith.extui %sign3A_867 : i1 to i32
        %sign3A_869 = arith.constant 0 : i32
        %sign3A_870 = arith.cmpi slt, %add3A_863, %sign3A_869 : i32
        %sign3A_871 = arith.extui %sign3A_870 : i1 to i32
        %sign3A_872 = arith.subi %sign3A_868, %sign3A_871 : i32
        %sign3A_873 = arith.constant 0 : i32
        %sign3A_874 = arith.cmpi sgt, %jit3A_864, %sign3A_873 : i32
        %sign3A_875 = arith.extui %sign3A_874 : i1 to i32
        %sign3A_876 = arith.constant 0 : i32
        %sign3A_877 = arith.cmpi slt, %jit3A_864, %sign3A_876 : i32
        %sign3A_878 = arith.extui %sign3A_877 : i1 to i32
        %sign3A_879 = arith.subi %sign3A_875, %sign3A_878 : i32
        %ne3A_880 = arith.cmpi ne, %sign3A_872, %sign3A_879 : i32
        %rem3A_881 = arith.remsi %add3A_863, %jit3A_864 : i32
        %ne3A_882 = arith.constant 0 : i32
        %ne3A_883 = arith.cmpi ne, %rem3A_881, %ne3A_882 : i32
        %and3A_884 = arith.andi %ne3A_880, %ne3A_883 : i1
        %sub3A_885 = arith.constant 1 : i32
        %sub3A_886 = arith.subi %div3A_865, %sub3A_885 : i32
        %select_n3A_887 = arith.select %and3A_884, %sub3A_886, %div3A_865 : i32
        %mul3A_888 = arith.constant 16 : i32
        %mul3A_889 = arith.muli %select_n3A_887, %mul3A_888 : i32
        %multiple_of3A_890 = tpu.assume_multiple %mul3A_889, 16 : i32
        %get3A_891 = arith.index_cast %multiple_of3A_890 : i32 to index
        %get3A_892 = tpu.vector_load %arg5[%get3A_891] {strides = array<i32>} : memref<64xi32, #tpu.memory_space<vmem>>, vector<16xi32>,
        %jit3A_893 = arith.constant 16 : i32
        %eq3A_894 = arith.constant 0 : i32
        %eq3A_895 = arith.cmpi eq, %jit3A_893, %eq3A_894 : i32
        %jit3A_896 = arith.constant 1 : i32
        %select_n3A_897 = arith.select %eq3A_895, %jit3A_896, %jit3A_893 : i32
        %rem3A_898 = arith.remsi %add3A_863, %select_n3A_897 : i32
        %ne3A_899 = arith.constant 0 : i32
        %ne3A_900 = arith.cmpi ne, %rem3A_898, %ne3A_899 : i32
        %lt3A_901 = arith.constant 0 : i32
        %lt3A_902 = arith.cmpi slt, %rem3A_898, %lt3A_901 : i32
        %lt3A_903 = arith.constant 0 : i32
        %lt3A_904 = arith.cmpi slt, %select_n3A_897, %lt3A_903 : i32
        %ne3A_905 = arith.xori %lt3A_902, %lt3A_904 : i1
        %and3A_906 = arith.andi %ne3A_905, %ne3A_900 : i1
        %add3A_907 = arith.addi %rem3A_898, %select_n3A_897 : i32
        %select_n3A_908 = arith.select %and3A_906, %add3A_907, %rem3A_898 : i32
        %eq3A_909 = vector.broadcast %select_n3A_908 : i32 to vector<16xi32>
        %eq3A_910 = arith.cmpi eq, %iota3A, %eq3A_909 : vector<16xi32>
        %jit3A_911 = arith.constant 0 : i32
        %broadcast_in_dim3A_912 = vector.broadcast %jit3A_911 : i32 to vector<16xi32>
        %select_n3A_913 = arith.select %eq3A_910, %get3A_892, %broadcast_in_dim3A_912 : vector<16xi1>, vector<16xi32>
        %reduce_max3A_914 = arith.constant true
        %reduce_max3A_915 = vector.broadcast %reduce_max3A_914 : i1 to vector<16xi1>
        %reduce_max3A_916 = arith.constant -2147483648 : i32
        %reduce_max3A_917 = vector.broadcast %reduce_max3A_916 : i32 to vector<16xi32>
        %reduce_max3A_918 = arith.xori %select_n3A_913, %reduce_max3A_917 : vector<16xi32>
        %reduce_max3A_919 = tpu.scan <max>, %reduce_max3A_918 masked %reduce_max3A_915 : vector<16xi32>, vector<16xi1> -> vector<16xi32>
        %reduce_max3A_920 = arith.xori %reduce_max3A_919, %reduce_max3A_917 : vector<16xi32>
        %reduce_max3A_921 = vector.extract %reduce_max3A_920[15] : i32 from vector<16xi32>
        %dma_start3A_922 = arith.constant 5 : i32
        %dma_start3A_923 = arith.constant 0 : i32
        %dma_start3A_924 = arith.constant 0 : i32
        %dma_start3A_925 = tpu.memref_slice %arg6[%dma_start3A_922, %dma_start3A_923, %dma_start3A_924] : memref<8x48x224xf32, #tpu.memory_space<vmem>> -> memref<1x48x224xf32, #tpu.memory_space<vmem>>
        %dma_start3A_926 = tpu.memref_squeeze %dma_start3A_925 : memref<1x48x224xf32, #tpu.memory_space<vmem>> -> memref<48x224xf32, #tpu.memory_space<vmem>>
        %dma_start3A_927 = arith.constant 48 : i32
        %dma_start3A_928 = arith.constant 0 : i32
        %dma_start3A_929 = tpu.memref_slice %arg2[%reduce_max3A_921, %dma_start3A_927, %dma_start3A_928] : memref<1792x96x224xf32, #tpu.memory_space<hbm>> -> memref<1x48x224xf32, #tpu.memory_space<hbm>>
        %dma_start3A_930 = tpu.memref_squeeze %dma_start3A_929 : memref<1x48x224xf32, #tpu.memory_space<hbm>> -> memref<48x224xf32, #tpu.memory_space<hbm>>
        %dma_start3A_931 = arith.constant 0 : i32
        %dma_start3A_932 = arith.constant 0 : i32
        %dma_start3A_933 = tpu.memref_slice %arg6[%dma_start3A_922, %dma_start3A_931, %dma_start3A_932] : memref<8x48x224xf32, #tpu.memory_space<vmem>> -> memref<1x48x224xf32, #tpu.memory_space<vmem>>
        %dma_start3A_934 = tpu.memref_squeeze %dma_start3A_933 : memref<1x48x224xf32, #tpu.memory_space<vmem>> -> memref<48x224xf32, #tpu.memory_space<vmem>>
        %dma_start3A_935 = arith.constant 48 : i32
        %dma_start3A_936 = arith.constant 0 : i32
        %dma_start3A_937 = tpu.memref_slice %arg2[%reduce_max3A_921, %dma_start3A_935, %dma_start3A_936] : memref<1792x96x224xf32, #tpu.memory_space<hbm>> -> memref<1x48x224xf32, #tpu.memory_space<hbm>>
        %dma_start3A_938 = tpu.memref_squeeze %dma_start3A_937 : memref<1x48x224xf32, #tpu.memory_space<hbm>> -> memref<48x224xf32, #tpu.memory_space<hbm>>
        tpu.enqueue_dma source(%dma_start3A_938 : memref<48x224xf32, #tpu.memory_space<hbm>>) target(%dma_start3A_934 : memref<48x224xf32, #tpu.memory_space<vmem>>) target_semaphore(%arg12 : memref<!tpu.dma_semaphore, #tpu.memory_space<semaphore_mem>>)
      } else {
      }
      %dma_wait3A_351 = arith.constant 1 : i32
      %dma_wait3A_352 = arith.constant 0 : i32
      %dma_wait3A_353 = arith.constant 0 : i32
      %dma_wait3A_354 = tpu.memref_slice %arg6[%dma_wait3A_351, %dma_wait3A_352, %dma_wait3A_353] : memref<8x48x224xf32, #tpu.memory_space<vmem>> -> memref<1x48x224xf32, #tpu.memory_space<vmem>>
      %dma_wait3A_355 = tpu.memref_squeeze %dma_wait3A_354 : memref<1x48x224xf32, #tpu.memory_space<vmem>> -> memref<48x224xf32, #tpu.memory_space<vmem>>
      %dma_wait3A_356 = arith.constant 0 : i32
      %dma_wait3A_357 = arith.constant 0 : i32
      %dma_wait3A_358 = tpu.memref_slice %arg2[%mul3A_2, %dma_wait3A_356, %dma_wait3A_357] : memref<1792x96x224xf32, #tpu.memory_space<hbm>> -> memref<1x48x224xf32, #tpu.memory_space<hbm>>
      %dma_wait3A_359 = tpu.memref_squeeze %dma_wait3A_358 : memref<1x48x224xf32, #tpu.memory_space<hbm>> -> memref<48x224xf32, #tpu.memory_space<hbm>>
      %dma_wait3A_360 = arith.constant 0 : i32
      %dma_wait3A_361 = arith.constant 0 : i32
      %dma_wait3A_362 = tpu.memref_slice %arg6[%dma_wait3A_351, %dma_wait3A_360, %dma_wait3A_361] : memref<8x48x224xf32, #tpu.memory_space<vmem>> -> memref<1x48x224xf32, #tpu.memory_space<vmem>>
      %dma_wait3A_363 = tpu.memref_squeeze %dma_wait3A_362 : memref<1x48x224xf32, #tpu.memory_space<vmem>> -> memref<48x224xf32, #tpu.memory_space<vmem>>
      %dma_wait3A_364 = arith.constant 0 : i32
      %dma_wait3A_365 = arith.constant 0 : i32
      %dma_wait3A_366 = tpu.memref_slice %arg2[%mul3A_2, %dma_wait3A_364, %dma_wait3A_365] : memref<1792x96x224xf32, #tpu.memory_space<hbm>> -> memref<1x48x224xf32, #tpu.memory_space<hbm>>
      %dma_wait3A_367 = tpu.memref_squeeze %dma_wait3A_366 : memref<1x48x224xf32, #tpu.memory_space<hbm>> -> memref<48x224xf32, #tpu.memory_space<hbm>>
      tpu.wait_dma2 semaphore(%arg8 : memref<!tpu.dma_semaphore, #tpu.memory_space<semaphore_mem>>) src(%dma_wait3A_367 : memref<48x224xf32, #tpu.memory_space<hbm>>) dst(%dma_wait3A_363 : memref<48x224xf32, #tpu.memory_space<vmem>>)
      %jit3A_368 = arith.constant 2 : i32
      %div3A_369 = arith.divsi %add3A_280, %jit3A_368 : i32
      %sign3A_370 = arith.constant 0 : i32
      %sign3A_371 = arith.cmpi sgt, %add3A_280, %sign3A_370 : i32
      %sign3A_372 = arith.extui %sign3A_371 : i1 to i32
      %sign3A_373 = arith.constant 0 : i32
      %sign3A_374 = arith.cmpi slt, %add3A_280, %sign3A_373 : i32
      %sign3A_375 = arith.extui %sign3A_374 : i1 to i32
      %sign3A_376 = arith.subi %sign3A_372, %sign3A_375 : i32
      %sign3A_377 = arith.constant 0 : i32
      %sign3A_378 = arith.cmpi sgt, %jit3A_368, %sign3A_377 : i32
      %sign3A_379 = arith.extui %sign3A_378 : i1 to i32
      %sign3A_380 = arith.constant 0 : i32
      %sign3A_381 = arith.cmpi slt, %jit3A_368, %sign3A_380 : i32
      %sign3A_382 = arith.extui %sign3A_381 : i1 to i32
      %sign3A_383 = arith.subi %sign3A_379, %sign3A_382 : i32
      %ne3A_384 = arith.cmpi ne, %sign3A_376, %sign3A_383 : i32
      %rem3A_385 = arith.remsi %add3A_280, %jit3A_368 : i32
      %ne3A_386 = arith.constant 0 : i32
      %ne3A_387 = arith.cmpi ne, %rem3A_385, %ne3A_386 : i32
      %and3A_388 = arith.andi %ne3A_384, %ne3A_387 : i1
      %sub3A_389 = arith.constant 1 : i32
      %sub3A_390 = arith.subi %div3A_369, %sub3A_389 : i32
      %select_n3A_391 = arith.select %and3A_388, %sub3A_390, %div3A_369 : i32
      %add3A_392 = arith.constant 0 : i32
      %add3A_393 = arith.addi %select_n3A_391, %add3A_392 : i32
      %add3A_394 = arith.addi %mul3A_2, %add3A_393 : i32
      %dma_start3A_395 = arith.constant 1 : i32
      %dma_start3A_396 = arith.constant 0 : i32
      %dma_start3A_397 = arith.constant 0 : i32
      %dma_start3A_398 = tpu.memref_slice %arg6[%dma_start3A_395, %dma_start3A_396, %dma_start3A_397] : memref<8x48x224xf32, #tpu.memory_space<vmem>> -> memref<1x48x224xf32, #tpu.memory_space<vmem>>
      %dma_start3A_399 = tpu.memref_squeeze %dma_start3A_398 : memref<1x48x224xf32, #tpu.memory_space<vmem>> -> memref<48x224xf32, #tpu.memory_space<vmem>>
      %dma_start3A_400 = arith.constant 48 : i32
      %dma_start3A_401 = arith.constant 0 : i32
      %dma_start3A_402 = tpu.memref_slice %arg4[%add3A_394, %dma_start3A_400, %dma_start3A_401] : memref<1792x96x224xf32, #tpu.memory_space<hbm>> -> memref<1x48x224xf32, #tpu.memory_space<hbm>>
      %dma_start3A_403 = tpu.memref_squeeze %dma_start3A_402 : memref<1x48x224xf32, #tpu.memory_space<hbm>> -> memref<48x224xf32, #tpu.memory_space<hbm>>
      %dma_start3A_404 = arith.constant 48 : i32
      %dma_start3A_405 = arith.constant 0 : i32
      %dma_start3A_406 = tpu.memref_slice %arg4[%add3A_394, %dma_start3A_404, %dma_start3A_405] : memref<1792x96x224xf32, #tpu.memory_space<hbm>> -> memref<1x48x224xf32, #tpu.memory_space<hbm>>
      %dma_start3A_407 = tpu.memref_squeeze %dma_start3A_406 : memref<1x48x224xf32, #tpu.memory_space<hbm>> -> memref<48x224xf32, #tpu.memory_space<hbm>>
      %dma_start3A_408 = arith.constant 0 : i32
      %dma_start3A_409 = arith.constant 0 : i32
      %dma_start3A_410 = tpu.memref_slice %arg6[%dma_start3A_395, %dma_start3A_408, %dma_start3A_409] : memref<8x48x224xf32, #tpu.memory_space<vmem>> -> memref<1x48x224xf32, #tpu.memory_space<vmem>>
      %dma_start3A_411 = tpu.memref_squeeze %dma_start3A_410 : memref<1x48x224xf32, #tpu.memory_space<vmem>> -> memref<48x224xf32, #tpu.memory_space<vmem>>
      tpu.enqueue_dma source(%dma_start3A_411 : memref<48x224xf32, #tpu.memory_space<vmem>>) target(%dma_start3A_407 : memref<48x224xf32, #tpu.memory_space<hbm>>) target_semaphore(%arg16 : memref<!tpu.dma_semaphore, #tpu.memory_space<semaphore_mem>>)
      %add3A_412 = arith.constant 2 : i32
      %add3A_413 = arith.addi %add3A_280, %add3A_412 : i32
      %add3A_414 = arith.constant 4 : i32
      %add3A_415 = arith.addi %add3A_413, %add3A_414 : i32
      %lt3A_416 = arith.constant 112 : i32
      %lt3A_417 = arith.cmpi slt, %add3A_415, %lt3A_416 : i32
      %convert_element_type3A_418 = arith.extui %lt3A_417 : i1 to i32
      %cond3A_419 = arith.constant 0 : i32
      %cond3A_420 = arith.cmpi ne, %convert_element_type3A_418, %cond3A_419 : i32
      scf.if %cond3A_420 {
        %add3A_832 = arith.constant 4 : i32
        %add3A_833 = arith.addi %add3A_413, %add3A_832 : i32
        %ge3A = arith.constant 8 : i32
        %ge3A_834 = arith.cmpi sge, %add3A_833, %ge3A : i32
        %convert_element_type3A_835 = arith.extui %ge3A_834 : i1 to i32
        %cond3A_836 = arith.constant 0 : i32
        %cond3A_837 = arith.cmpi ne, %convert_element_type3A_835, %cond3A_836 : i32
        scf.if %cond3A_837 {
          %dma_wait3A_939 = arith.constant 6 : i32
          %dma_wait3A_940 = arith.constant 0 : i32
          %dma_wait3A_941 = arith.constant 0 : i32
          %dma_wait3A_942 = tpu.memref_slice %arg6[%dma_wait3A_939, %dma_wait3A_940, %dma_wait3A_941] : memref<8x48x224xf32, #tpu.memory_space<vmem>> -> memref<1x48x224xf32, #tpu.memory_space<vmem>>
          %dma_wait3A_943 = tpu.memref_squeeze %dma_wait3A_942 : memref<1x48x224xf32, #tpu.memory_space<vmem>> -> memref<48x224xf32, #tpu.memory_space<vmem>>
          %dma_wait3A_944 = arith.constant 0 : i32
          %dma_wait3A_945 = arith.constant 0 : i32
          %dma_wait3A_946 = tpu.memref_slice %arg4[%mul3A_2, %dma_wait3A_944, %dma_wait3A_945] : memref<1792x96x224xf32, #tpu.memory_space<hbm>> -> memref<1x48x224xf32, #tpu.memory_space<hbm>>
          %dma_wait3A_947 = tpu.memref_squeeze %dma_wait3A_946 : memref<1x48x224xf32, #tpu.memory_space<hbm>> -> memref<48x224xf32, #tpu.memory_space<hbm>>
          %dma_wait3A_948 = arith.constant 0 : i32
          %dma_wait3A_949 = arith.constant 0 : i32
          %dma_wait3A_950 = tpu.memref_slice %arg4[%mul3A_2, %dma_wait3A_948, %dma_wait3A_949] : memref<1792x96x224xf32, #tpu.memory_space<hbm>> -> memref<1x48x224xf32, #tpu.memory_space<hbm>>
          %dma_wait3A_951 = tpu.memref_squeeze %dma_wait3A_950 : memref<1x48x224xf32, #tpu.memory_space<hbm>> -> memref<48x224xf32, #tpu.memory_space<hbm>>
          %dma_wait3A_952 = arith.constant 0 : i32
          %dma_wait3A_953 = arith.constant 0 : i32
          %dma_wait3A_954 = tpu.memref_slice %arg6[%dma_wait3A_939, %dma_wait3A_952, %dma_wait3A_953] : memref<8x48x224xf32, #tpu.memory_space<vmem>> -> memref<1x48x224xf32, #tpu.memory_space<vmem>>
          %dma_wait3A_955 = tpu.memref_squeeze %dma_wait3A_954 : memref<1x48x224xf32, #tpu.memory_space<vmem>> -> memref<48x224xf32, #tpu.memory_space<vmem>>
          tpu.wait_dma2 semaphore(%arg21 : memref<!tpu.dma_semaphore, #tpu.memory_space<semaphore_mem>>) src(%dma_wait3A_955 : memref<48x224xf32, #tpu.memory_space<vmem>>) dst(%dma_wait3A_951 : memref<48x224xf32, #tpu.memory_space<hbm>>)
        } else {
        }
        %jit3A_838 = arith.constant 2 : i32
        %div3A_839 = arith.divsi %add3A_280, %jit3A_838 : i32
        %sign3A_840 = arith.constant 0 : i32
        %sign3A_841 = arith.cmpi sgt, %add3A_280, %sign3A_840 : i32
        %sign3A_842 = arith.extui %sign3A_841 : i1 to i32
        %sign3A_843 = arith.constant 0 : i32
        %sign3A_844 = arith.cmpi slt, %add3A_280, %sign3A_843 : i32
        %sign3A_845 = arith.extui %sign3A_844 : i1 to i32
        %sign3A_846 = arith.subi %sign3A_842, %sign3A_845 : i32
        %sign3A_847 = arith.constant 0 : i32
        %sign3A_848 = arith.cmpi sgt, %jit3A_838, %sign3A_847 : i32
        %sign3A_849 = arith.extui %sign3A_848 : i1 to i32
        %sign3A_850 = arith.constant 0 : i32
        %sign3A_851 = arith.cmpi slt, %jit3A_838, %sign3A_850 : i32
        %sign3A_852 = arith.extui %sign3A_851 : i1 to i32
        %sign3A_853 = arith.subi %sign3A_849, %sign3A_852 : i32
        %ne3A_854 = arith.cmpi ne, %sign3A_846, %sign3A_853 : i32
        %rem3A_855 = arith.remsi %add3A_280, %jit3A_838 : i32
        %ne3A_856 = arith.constant 0 : i32
        %ne3A_857 = arith.cmpi ne, %rem3A_855, %ne3A_856 : i32
        %and3A_858 = arith.andi %ne3A_854, %ne3A_857 : i1
        %sub3A_859 = arith.constant 1 : i32
        %sub3A_860 = arith.subi %div3A_839, %sub3A_859 : i32
        %select_n3A_861 = arith.select %and3A_858, %sub3A_860, %div3A_839 : i32
        %add3A_862 = arith.constant 3 : i32
        %add3A_863 = arith.addi %select_n3A_861, %add3A_862 : i32
        %jit3A_864 = arith.constant 16 : i32
        %div3A_865 = arith.divsi %add3A_863, %jit3A_864 : i32
        %sign3A_866 = arith.constant 0 : i32
        %sign3A_867 = arith.cmpi sgt, %add3A_863, %sign3A_866 : i32
        %sign3A_868 = arith.extui %sign3A_867 : i1 to i32
        %sign3A_869 = arith.constant 0 : i32
        %sign3A_870 = arith.cmpi slt, %add3A_863, %sign3A_869 : i32
        %sign3A_871 = arith.extui %sign3A_870 : i1 to i32
        %sign3A_872 = arith.subi %sign3A_868, %sign3A_871 : i32
        %sign3A_873 = arith.constant 0 : i32
        %sign3A_874 = arith.cmpi sgt, %jit3A_864, %sign3A_873 : i32
        %sign3A_875 = arith.extui %sign3A_874 : i1 to i32
        %sign3A_876 = arith.constant 0 : i32
        %sign3A_877 = arith.cmpi slt, %jit3A_864, %sign3A_876 : i32
        %sign3A_878 = arith.extui %sign3A_877 : i1 to i32
        %sign3A_879 = arith.subi %sign3A_875, %sign3A_878 : i32
        %ne3A_880 = arith.cmpi ne, %sign3A_872, %sign3A_879 : i32
        %rem3A_881 = arith.remsi %add3A_863, %jit3A_864 : i32
        %ne3A_882 = arith.constant 0 : i32
        %ne3A_883 = arith.cmpi ne, %rem3A_881, %ne3A_882 : i32
        %and3A_884 = arith.andi %ne3A_880, %ne3A_883 : i1
        %sub3A_885 = arith.constant 1 : i32
        %sub3A_886 = arith.subi %div3A_865, %sub3A_885 : i32
        %select_n3A_887 = arith.select %and3A_884, %sub3A_886, %div3A_865 : i32
        %mul3A_888 = arith.constant 16 : i32
        %mul3A_889 = arith.muli %select_n3A_887, %mul3A_888 : i32
        %multiple_of3A_890 = tpu.assume_multiple %mul3A_889, 16 : i32
        %get3A_891 = arith.index_cast %multiple_of3A_890 : i32 to index
        %get3A_892 = tpu.vector_load %arg5[%get3A_891] {strides = array<i32>} : memref<64xi32, #tpu.memory_space<vmem>>, vector<16xi32>,
        %jit3A_893 = arith.constant 16 : i32
        %eq3A_894 = arith.constant 0 : i32
        %eq3A_895 = arith.cmpi eq, %jit3A_893, %eq3A_894 : i32
        %jit3A_896 = arith.constant 1 : i32
        %select_n3A_897 = arith.select %eq3A_895, %jit3A_896, %jit3A_893 : i32
        %rem3A_898 = arith.remsi %add3A_863, %select_n3A_897 : i32
        %ne3A_899 = arith.constant 0 : i32
        %ne3A_900 = arith.cmpi ne, %rem3A_898, %ne3A_899 : i32
        %lt3A_901 = arith.constant 0 : i32
        %lt3A_902 = arith.cmpi slt, %rem3A_898, %lt3A_901 : i32
        %lt3A_903 = arith.constant 0 : i32
        %lt3A_904 = arith.cmpi slt, %select_n3A_897, %lt3A_903 : i32
        %ne3A_905 = arith.xori %lt3A_902, %lt3A_904 : i1
        %and3A_906 = arith.andi %ne3A_905, %ne3A_900 : i1
        %add3A_907 = arith.addi %rem3A_898, %select_n3A_897 : i32
        %select_n3A_908 = arith.select %and3A_906, %add3A_907, %rem3A_898 : i32
        %eq3A_909 = vector.broadcast %select_n3A_908 : i32 to vector<16xi32>
        %eq3A_910 = arith.cmpi eq, %iota3A, %eq3A_909 : vector<16xi32>
        %jit3A_911 = arith.constant 0 : i32
        %broadcast_in_dim3A_912 = vector.broadcast %jit3A_911 : i32 to vector<16xi32>
        %select_n3A_913 = arith.select %eq3A_910, %get3A_892, %broadcast_in_dim3A_912 : vector<16xi1>, vector<16xi32>
        %reduce_max3A_914 = arith.constant true
        %reduce_max3A_915 = vector.broadcast %reduce_max3A_914 : i1 to vector<16xi1>
        %reduce_max3A_916 = arith.constant -2147483648 : i32
        %reduce_max3A_917 = vector.broadcast %reduce_max3A_916 : i32 to vector<16xi32>
        %reduce_max3A_918 = arith.xori %select_n3A_913, %reduce_max3A_917 : vector<16xi32>
        %reduce_max3A_919 = tpu.scan <max>, %reduce_max3A_918 masked %reduce_max3A_915 : vector<16xi32>, vector<16xi1> -> vector<16xi32>
        %reduce_max3A_920 = arith.xori %reduce_max3A_919, %reduce_max3A_917 : vector<16xi32>
        %reduce_max3A_921 = vector.extract %reduce_max3A_920[15] : i32 from vector<16xi32>
        %dma_start3A_922 = arith.constant 6 : i32
        %dma_start3A_923 = arith.constant 0 : i32
        %dma_start3A_924 = arith.constant 0 : i32
        %dma_start3A_925 = tpu.memref_slice %arg6[%dma_start3A_922, %dma_start3A_923, %dma_start3A_924] : memref<8x48x224xf32, #tpu.memory_space<vmem>> -> memref<1x48x224xf32, #tpu.memory_space<vmem>>
        %dma_start3A_926 = tpu.memref_squeeze %dma_start3A_925 : memref<1x48x224xf32, #tpu.memory_space<vmem>> -> memref<48x224xf32, #tpu.memory_space<vmem>>
        %dma_start3A_927 = arith.constant 0 : i32
        %dma_start3A_928 = arith.constant 0 : i32
        %dma_start3A_929 = tpu.memref_slice %arg2[%reduce_max3A_921, %dma_start3A_927, %dma_start3A_928] : memref<1792x96x224xf32, #tpu.memory_space<hbm>> -> memref<1x48x224xf32, #tpu.memory_space<hbm>>
        %dma_start3A_930 = tpu.memref_squeeze %dma_start3A_929 : memref<1x48x224xf32, #tpu.memory_space<hbm>> -> memref<48x224xf32, #tpu.memory_space<hbm>>
        %dma_start3A_931 = arith.constant 0 : i32
        %dma_start3A_932 = arith.constant 0 : i32
        %dma_start3A_933 = tpu.memref_slice %arg6[%dma_start3A_922, %dma_start3A_931, %dma_start3A_932] : memref<8x48x224xf32, #tpu.memory_space<vmem>> -> memref<1x48x224xf32, #tpu.memory_space<vmem>>
        %dma_start3A_934 = tpu.memref_squeeze %dma_start3A_933 : memref<1x48x224xf32, #tpu.memory_space<vmem>> -> memref<48x224xf32, #tpu.memory_space<vmem>>
        %dma_start3A_935 = arith.constant 0 : i32
        %dma_start3A_936 = arith.constant 0 : i32
        %dma_start3A_937 = tpu.memref_slice %arg2[%reduce_max3A_921, %dma_start3A_935, %dma_start3A_936] : memref<1792x96x224xf32, #tpu.memory_space<hbm>> -> memref<1x48x224xf32, #tpu.memory_space<hbm>>
        %dma_start3A_938 = tpu.memref_squeeze %dma_start3A_937 : memref<1x48x224xf32, #tpu.memory_space<hbm>> -> memref<48x224xf32, #tpu.memory_space<hbm>>
        tpu.enqueue_dma source(%dma_start3A_938 : memref<48x224xf32, #tpu.memory_space<hbm>>) target(%dma_start3A_934 : memref<48x224xf32, #tpu.memory_space<vmem>>) target_semaphore(%arg13 : memref<!tpu.dma_semaphore, #tpu.memory_space<semaphore_mem>>)
      } else {
      }
      %dma_wait3A_421 = arith.constant 2 : i32
      %dma_wait3A_422 = arith.constant 0 : i32
      %dma_wait3A_423 = arith.constant 0 : i32
      %dma_wait3A_424 = tpu.memref_slice %arg6[%dma_wait3A_421, %dma_wait3A_422, %dma_wait3A_423] : memref<8x48x224xf32, #tpu.memory_space<vmem>> -> memref<1x48x224xf32, #tpu.memory_space<vmem>>
      %dma_wait3A_425 = tpu.memref_squeeze %dma_wait3A_424 : memref<1x48x224xf32, #tpu.memory_space<vmem>> -> memref<48x224xf32, #tpu.memory_space<vmem>>
      %dma_wait3A_426 = arith.constant 0 : i32
      %dma_wait3A_427 = arith.constant 0 : i32
      %dma_wait3A_428 = tpu.memref_slice %arg2[%mul3A_2, %dma_wait3A_426, %dma_wait3A_427] : memref<1792x96x224xf32, #tpu.memory_space<hbm>> -> memref<1x48x224xf32, #tpu.memory_space<hbm>>
      %dma_wait3A_429 = tpu.memref_squeeze %dma_wait3A_428 : memref<1x48x224xf32, #tpu.memory_space<hbm>> -> memref<48x224xf32, #tpu.memory_space<hbm>>
      %dma_wait3A_430 = arith.constant 0 : i32
      %dma_wait3A_431 = arith.constant 0 : i32
      %dma_wait3A_432 = tpu.memref_slice %arg6[%dma_wait3A_421, %dma_wait3A_430, %dma_wait3A_431] : memref<8x48x224xf32, #tpu.memory_space<vmem>> -> memref<1x48x224xf32, #tpu.memory_space<vmem>>
      %dma_wait3A_433 = tpu.memref_squeeze %dma_wait3A_432 : memref<1x48x224xf32, #tpu.memory_space<vmem>> -> memref<48x224xf32, #tpu.memory_space<vmem>>
      %dma_wait3A_434 = arith.constant 0 : i32
      %dma_wait3A_435 = arith.constant 0 : i32
      %dma_wait3A_436 = tpu.memref_slice %arg2[%mul3A_2, %dma_wait3A_434, %dma_wait3A_435] : memref<1792x96x224xf32, #tpu.memory_space<hbm>> -> memref<1x48x224xf32, #tpu.memory_space<hbm>>
      %dma_wait3A_437 = tpu.memref_squeeze %dma_wait3A_436 : memref<1x48x224xf32, #tpu.memory_space<hbm>> -> memref<48x224xf32, #tpu.memory_space<hbm>>
      tpu.wait_dma2 semaphore(%arg9 : memref<!tpu.dma_semaphore, #tpu.memory_space<semaphore_mem>>) src(%dma_wait3A_437 : memref<48x224xf32, #tpu.memory_space<hbm>>) dst(%dma_wait3A_433 : memref<48x224xf32, #tpu.memory_space<vmem>>)
      %jit3A_438 = arith.constant 2 : i32
      %div3A_439 = arith.divsi %add3A_280, %jit3A_438 : i32
      %sign3A_440 = arith.constant 0 : i32
      %sign3A_441 = arith.cmpi sgt, %add3A_280, %sign3A_440 : i32
      %sign3A_442 = arith.extui %sign3A_441 : i1 to i32
      %sign3A_443 = arith.constant 0 : i32
      %sign3A_444 = arith.cmpi slt, %add3A_280, %sign3A_443 : i32
      %sign3A_445 = arith.extui %sign3A_444 : i1 to i32
      %sign3A_446 = arith.subi %sign3A_442, %sign3A_445 : i32
      %sign3A_447 = arith.constant 0 : i32
      %sign3A_448 = arith.cmpi sgt, %jit3A_438, %sign3A_447 : i32
      %sign3A_449 = arith.extui %sign3A_448 : i1 to i32
      %sign3A_450 = arith.constant 0 : i32
      %sign3A_451 = arith.cmpi slt, %jit3A_438, %sign3A_450 : i32
      %sign3A_452 = arith.extui %sign3A_451 : i1 to i32
      %sign3A_453 = arith.subi %sign3A_449, %sign3A_452 : i32
      %ne3A_454 = arith.cmpi ne, %sign3A_446, %sign3A_453 : i32
      %rem3A_455 = arith.remsi %add3A_280, %jit3A_438 : i32
      %ne3A_456 = arith.constant 0 : i32
      %ne3A_457 = arith.cmpi ne, %rem3A_455, %ne3A_456 : i32
      %and3A_458 = arith.andi %ne3A_454, %ne3A_457 : i1
      %sub3A_459 = arith.constant 1 : i32
      %sub3A_460 = arith.subi %div3A_439, %sub3A_459 : i32
      %select_n3A_461 = arith.select %and3A_458, %sub3A_460, %div3A_439 : i32
      %add3A_462 = arith.constant 1 : i32
      %add3A_463 = arith.addi %select_n3A_461, %add3A_462 : i32
      %add3A_464 = arith.addi %mul3A_2, %add3A_463 : i32
      %dma_start3A_465 = arith.constant 2 : i32
      %dma_start3A_466 = arith.constant 0 : i32
      %dma_start3A_467 = arith.constant 0 : i32
      %dma_start3A_468 = tpu.memref_slice %arg6[%dma_start3A_465, %dma_start3A_466, %dma_start3A_467] : memref<8x48x224xf32, #tpu.memory_space<vmem>> -> memref<1x48x224xf32, #tpu.memory_space<vmem>>
      %dma_start3A_469 = tpu.memref_squeeze %dma_start3A_468 : memref<1x48x224xf32, #tpu.memory_space<vmem>> -> memref<48x224xf32, #tpu.memory_space<vmem>>
      %dma_start3A_470 = arith.constant 0 : i32
      %dma_start3A_471 = arith.constant 0 : i32
      %dma_start3A_472 = tpu.memref_slice %arg4[%add3A_464, %dma_start3A_470, %dma_start3A_471] : memref<1792x96x224xf32, #tpu.memory_space<hbm>> -> memref<1x48x224xf32, #tpu.memory_space<hbm>>
      %dma_start3A_473 = tpu.memref_squeeze %dma_start3A_472 : memref<1x48x224xf32, #tpu.memory_space<hbm>> -> memref<48x224xf32, #tpu.memory_space<hbm>>
      %dma_start3A_474 = arith.constant 0 : i32
      %dma_start3A_475 = arith.constant 0 : i32
      %dma_start3A_476 = tpu.memref_slice %arg4[%add3A_464, %dma_start3A_474, %dma_start3A_475] : memref<1792x96x224xf32, #tpu.memory_space<hbm>> -> memref<1x48x224xf32, #tpu.memory_space<hbm>>
      %dma_start3A_477 = tpu.memref_squeeze %dma_start3A_476 : memref<1x48x224xf32, #tpu.memory_space<hbm>> -> memref<48x224xf32, #tpu.memory_space<hbm>>
      %dma_start3A_478 = arith.constant 0 : i32
      %dma_start3A_479 = arith.constant 0 : i32
      %dma_start3A_480 = tpu.memref_slice %arg6[%dma_start3A_465, %dma_start3A_478, %dma_start3A_479] : memref<8x48x224xf32, #tpu.memory_space<vmem>> -> memref<1x48x224xf32, #tpu.memory_space<vmem>>
      %dma_start3A_481 = tpu.memref_squeeze %dma_start3A_480 : memref<1x48x224xf32, #tpu.memory_space<vmem>> -> memref<48x224xf32, #tpu.memory_space<vmem>>
      tpu.enqueue_dma source(%dma_start3A_481 : memref<48x224xf32, #tpu.memory_space<vmem>>) target(%dma_start3A_477 : memref<48x224xf32, #tpu.memory_space<hbm>>) target_semaphore(%arg17 : memref<!tpu.dma_semaphore, #tpu.memory_space<semaphore_mem>>)
      %add3A_482 = arith.constant 3 : i32
      %add3A_483 = arith.addi %add3A_280, %add3A_482 : i32
      %add3A_484 = arith.constant 4 : i32
      %add3A_485 = arith.addi %add3A_483, %add3A_484 : i32
      %lt3A_486 = arith.constant 112 : i32
      %lt3A_487 = arith.cmpi slt, %add3A_485, %lt3A_486 : i32
      %convert_element_type3A_488 = arith.extui %lt3A_487 : i1 to i32
      %cond3A_489 = arith.constant 0 : i32
      %cond3A_490 = arith.cmpi ne, %convert_element_type3A_488, %cond3A_489 : i32
      scf.if %cond3A_490 {
        %add3A_832 = arith.constant 4 : i32
        %add3A_833 = arith.addi %add3A_483, %add3A_832 : i32
        %ge3A = arith.constant 8 : i32
        %ge3A_834 = arith.cmpi sge, %add3A_833, %ge3A : i32
        %convert_element_type3A_835 = arith.extui %ge3A_834 : i1 to i32
        %cond3A_836 = arith.constant 0 : i32
        %cond3A_837 = arith.cmpi ne, %convert_element_type3A_835, %cond3A_836 : i32
        scf.if %cond3A_837 {
          %dma_wait3A_939 = arith.constant 7 : i32
          %dma_wait3A_940 = arith.constant 0 : i32
          %dma_wait3A_941 = arith.constant 0 : i32
          %dma_wait3A_942 = tpu.memref_slice %arg6[%dma_wait3A_939, %dma_wait3A_940, %dma_wait3A_941] : memref<8x48x224xf32, #tpu.memory_space<vmem>> -> memref<1x48x224xf32, #tpu.memory_space<vmem>>
          %dma_wait3A_943 = tpu.memref_squeeze %dma_wait3A_942 : memref<1x48x224xf32, #tpu.memory_space<vmem>> -> memref<48x224xf32, #tpu.memory_space<vmem>>
          %dma_wait3A_944 = arith.constant 0 : i32
          %dma_wait3A_945 = arith.constant 0 : i32
          %dma_wait3A_946 = tpu.memref_slice %arg4[%mul3A_2, %dma_wait3A_944, %dma_wait3A_945] : memref<1792x96x224xf32, #tpu.memory_space<hbm>> -> memref<1x48x224xf32, #tpu.memory_space<hbm>>
          %dma_wait3A_947 = tpu.memref_squeeze %dma_wait3A_946 : memref<1x48x224xf32, #tpu.memory_space<hbm>> -> memref<48x224xf32, #tpu.memory_space<hbm>>
          %dma_wait3A_948 = arith.constant 0 : i32
          %dma_wait3A_949 = arith.constant 0 : i32
          %dma_wait3A_950 = tpu.memref_slice %arg4[%mul3A_2, %dma_wait3A_948, %dma_wait3A_949] : memref<1792x96x224xf32, #tpu.memory_space<hbm>> -> memref<1x48x224xf32, #tpu.memory_space<hbm>>
          %dma_wait3A_951 = tpu.memref_squeeze %dma_wait3A_950 : memref<1x48x224xf32, #tpu.memory_space<hbm>> -> memref<48x224xf32, #tpu.memory_space<hbm>>
          %dma_wait3A_952 = arith.constant 0 : i32
          %dma_wait3A_953 = arith.constant 0 : i32
          %dma_wait3A_954 = tpu.memref_slice %arg6[%dma_wait3A_939, %dma_wait3A_952, %dma_wait3A_953] : memref<8x48x224xf32, #tpu.memory_space<vmem>> -> memref<1x48x224xf32, #tpu.memory_space<vmem>>
          %dma_wait3A_955 = tpu.memref_squeeze %dma_wait3A_954 : memref<1x48x224xf32, #tpu.memory_space<vmem>> -> memref<48x224xf32, #tpu.memory_space<vmem>>
          tpu.wait_dma2 semaphore(%arg22 : memref<!tpu.dma_semaphore, #tpu.memory_space<semaphore_mem>>) src(%dma_wait3A_955 : memref<48x224xf32, #tpu.memory_space<vmem>>) dst(%dma_wait3A_951 : memref<48x224xf32, #tpu.memory_space<hbm>>)
        } else {
        }
        %jit3A_838 = arith.constant 2 : i32
        %div3A_839 = arith.divsi %add3A_280, %jit3A_838 : i32
        %sign3A_840 = arith.constant 0 : i32
        %sign3A_841 = arith.cmpi sgt, %add3A_280, %sign3A_840 : i32
        %sign3A_842 = arith.extui %sign3A_841 : i1 to i32
        %sign3A_843 = arith.constant 0 : i32
        %sign3A_844 = arith.cmpi slt, %add3A_280, %sign3A_843 : i32
        %sign3A_845 = arith.extui %sign3A_844 : i1 to i32
        %sign3A_846 = arith.subi %sign3A_842, %sign3A_845 : i32
        %sign3A_847 = arith.constant 0 : i32
        %sign3A_848 = arith.cmpi sgt, %jit3A_838, %sign3A_847 : i32
        %sign3A_849 = arith.extui %sign3A_848 : i1 to i32
        %sign3A_850 = arith.constant 0 : i32
        %sign3A_851 = arith.cmpi slt, %jit3A_838, %sign3A_850 : i32
        %sign3A_852 = arith.extui %sign3A_851 : i1 to i32
        %sign3A_853 = arith.subi %sign3A_849, %sign3A_852 : i32
        %ne3A_854 = arith.cmpi ne, %sign3A_846, %sign3A_853 : i32
        %rem3A_855 = arith.remsi %add3A_280, %jit3A_838 : i32
        %ne3A_856 = arith.constant 0 : i32
        %ne3A_857 = arith.cmpi ne, %rem3A_855, %ne3A_856 : i32
        %and3A_858 = arith.andi %ne3A_854, %ne3A_857 : i1
        %sub3A_859 = arith.constant 1 : i32
        %sub3A_860 = arith.subi %div3A_839, %sub3A_859 : i32
        %select_n3A_861 = arith.select %and3A_858, %sub3A_860, %div3A_839 : i32
        %add3A_862 = arith.constant 3 : i32
        %add3A_863 = arith.addi %select_n3A_861, %add3A_862 : i32
        %jit3A_864 = arith.constant 16 : i32
        %div3A_865 = arith.divsi %add3A_863, %jit3A_864 : i32
        %sign3A_866 = arith.constant 0 : i32
        %sign3A_867 = arith.cmpi sgt, %add3A_863, %sign3A_866 : i32
        %sign3A_868 = arith.extui %sign3A_867 : i1 to i32
        %sign3A_869 = arith.constant 0 : i32
        %sign3A_870 = arith.cmpi slt, %add3A_863, %sign3A_869 : i32
        %sign3A_871 = arith.extui %sign3A_870 : i1 to i32
        %sign3A_872 = arith.subi %sign3A_868, %sign3A_871 : i32
        %sign3A_873 = arith.constant 0 : i32
        %sign3A_874 = arith.cmpi sgt, %jit3A_864, %sign3A_873 : i32
        %sign3A_875 = arith.extui %sign3A_874 : i1 to i32
        %sign3A_876 = arith.constant 0 : i32
        %sign3A_877 = arith.cmpi slt, %jit3A_864, %sign3A_876 : i32
        %sign3A_878 = arith.extui %sign3A_877 : i1 to i32
        %sign3A_879 = arith.subi %sign3A_875, %sign3A_878 : i32
        %ne3A_880 = arith.cmpi ne, %sign3A_872, %sign3A_879 : i32
        %rem3A_881 = arith.remsi %add3A_863, %jit3A_864 : i32
        %ne3A_882 = arith.constant 0 : i32
        %ne3A_883 = arith.cmpi ne, %rem3A_881, %ne3A_882 : i32
        %and3A_884 = arith.andi %ne3A_880, %ne3A_883 : i1
        %sub3A_885 = arith.constant 1 : i32
        %sub3A_886 = arith.subi %div3A_865, %sub3A_885 : i32
        %select_n3A_887 = arith.select %and3A_884, %sub3A_886, %div3A_865 : i32
        %mul3A_888 = arith.constant 16 : i32
        %mul3A_889 = arith.muli %select_n3A_887, %mul3A_888 : i32
        %multiple_of3A_890 = tpu.assume_multiple %mul3A_889, 16 : i32
        %get3A_891 = arith.index_cast %multiple_of3A_890 : i32 to index
        %get3A_892 = tpu.vector_load %arg5[%get3A_891] {strides = array<i32>} : memref<64xi32, #tpu.memory_space<vmem>>, vector<16xi32>,
        %jit3A_893 = arith.constant 16 : i32
        %eq3A_894 = arith.constant 0 : i32
        %eq3A_895 = arith.cmpi eq, %jit3A_893, %eq3A_894 : i32
        %jit3A_896 = arith.constant 1 : i32
        %select_n3A_897 = arith.select %eq3A_895, %jit3A_896, %jit3A_893 : i32
        %rem3A_898 = arith.remsi %add3A_863, %select_n3A_897 : i32
        %ne3A_899 = arith.constant 0 : i32
        %ne3A_900 = arith.cmpi ne, %rem3A_898, %ne3A_899 : i32
        %lt3A_901 = arith.constant 0 : i32
        %lt3A_902 = arith.cmpi slt, %rem3A_898, %lt3A_901 : i32
        %lt3A_903 = arith.constant 0 : i32
        %lt3A_904 = arith.cmpi slt, %select_n3A_897, %lt3A_903 : i32
        %ne3A_905 = arith.xori %lt3A_902, %lt3A_904 : i1
        %and3A_906 = arith.andi %ne3A_905, %ne3A_900 : i1
        %add3A_907 = arith.addi %rem3A_898, %select_n3A_897 : i32
        %select_n3A_908 = arith.select %and3A_906, %add3A_907, %rem3A_898 : i32
        %eq3A_909 = vector.broadcast %select_n3A_908 : i32 to vector<16xi32>
        %eq3A_910 = arith.cmpi eq, %iota3A, %eq3A_909 : vector<16xi32>
        %jit3A_911 = arith.constant 0 : i32
        %broadcast_in_dim3A_912 = vector.broadcast %jit3A_911 : i32 to vector<16xi32>
        %select_n3A_913 = arith.select %eq3A_910, %get3A_892, %broadcast_in_dim3A_912 : vector<16xi1>, vector<16xi32>
        %reduce_max3A_914 = arith.constant true
        %reduce_max3A_915 = vector.broadcast %reduce_max3A_914 : i1 to vector<16xi1>
        %reduce_max3A_916 = arith.constant -2147483648 : i32
        %reduce_max3A_917 = vector.broadcast %reduce_max3A_916 : i32 to vector<16xi32>
        %reduce_max3A_918 = arith.xori %select_n3A_913, %reduce_max3A_917 : vector<16xi32>
        %reduce_max3A_919 = tpu.scan <max>, %reduce_max3A_918 masked %reduce_max3A_915 : vector<16xi32>, vector<16xi1> -> vector<16xi32>
        %reduce_max3A_920 = arith.xori %reduce_max3A_919, %reduce_max3A_917 : vector<16xi32>
        %reduce_max3A_921 = vector.extract %reduce_max3A_920[15] : i32 from vector<16xi32>
        %dma_start3A_922 = arith.constant 7 : i32
        %dma_start3A_923 = arith.constant 0 : i32
        %dma_start3A_924 = arith.constant 0 : i32
        %dma_start3A_925 = tpu.memref_slice %arg6[%dma_start3A_922, %dma_start3A_923, %dma_start3A_924] : memref<8x48x224xf32, #tpu.memory_space<vmem>> -> memref<1x48x224xf32, #tpu.memory_space<vmem>>
        %dma_start3A_926 = tpu.memref_squeeze %dma_start3A_925 : memref<1x48x224xf32, #tpu.memory_space<vmem>> -> memref<48x224xf32, #tpu.memory_space<vmem>>
        %dma_start3A_927 = arith.constant 48 : i32
        %dma_start3A_928 = arith.constant 0 : i32
        %dma_start3A_929 = tpu.memref_slice %arg2[%reduce_max3A_921, %dma_start3A_927, %dma_start3A_928] : memref<1792x96x224xf32, #tpu.memory_space<hbm>> -> memref<1x48x224xf32, #tpu.memory_space<hbm>>
        %dma_start3A_930 = tpu.memref_squeeze %dma_start3A_929 : memref<1x48x224xf32, #tpu.memory_space<hbm>> -> memref<48x224xf32, #tpu.memory_space<hbm>>
        %dma_start3A_931 = arith.constant 0 : i32
        %dma_start3A_932 = arith.constant 0 : i32
        %dma_start3A_933 = tpu.memref_slice %arg6[%dma_start3A_922, %dma_start3A_931, %dma_start3A_932] : memref<8x48x224xf32, #tpu.memory_space<vmem>> -> memref<1x48x224xf32, #tpu.memory_space<vmem>>
        %dma_start3A_934 = tpu.memref_squeeze %dma_start3A_933 : memref<1x48x224xf32, #tpu.memory_space<vmem>> -> memref<48x224xf32, #tpu.memory_space<vmem>>
        %dma_start3A_935 = arith.constant 48 : i32
        %dma_start3A_936 = arith.constant 0 : i32
        %dma_start3A_937 = tpu.memref_slice %arg2[%reduce_max3A_921, %dma_start3A_935, %dma_start3A_936] : memref<1792x96x224xf32, #tpu.memory_space<hbm>> -> memref<1x48x224xf32, #tpu.memory_space<hbm>>
        %dma_start3A_938 = tpu.memref_squeeze %dma_start3A_937 : memref<1x48x224xf32, #tpu.memory_space<hbm>> -> memref<48x224xf32, #tpu.memory_space<hbm>>
        tpu.enqueue_dma source(%dma_start3A_938 : memref<48x224xf32, #tpu.memory_space<hbm>>) target(%dma_start3A_934 : memref<48x224xf32, #tpu.memory_space<vmem>>) target_semaphore(%arg14 : memref<!tpu.dma_semaphore, #tpu.memory_space<semaphore_mem>>)
      } else {
      }
      %dma_wait3A_491 = arith.constant 3 : i32
      %dma_wait3A_492 = arith.constant 0 : i32
      %dma_wait3A_493 = arith.constant 0 : i32
      %dma_wait3A_494 = tpu.memref_slice %arg6[%dma_wait3A_491, %dma_wait3A_492, %dma_wait3A_493] : memref<8x48x224xf32, #tpu.memory_space<vmem>> -> memref<1x48x224xf32, #tpu.memory_space<vmem>>
      %dma_wait3A_495 = tpu.memref_squeeze %dma_wait3A_494 : memref<1x48x224xf32, #tpu.memory_space<vmem>> -> memref<48x224xf32, #tpu.memory_space<vmem>>
      %dma_wait3A_496 = arith.constant 0 : i32
      %dma_wait3A_497 = arith.constant 0 : i32
      %dma_wait3A_498 = tpu.memref_slice %arg2[%mul3A_2, %dma_wait3A_496, %dma_wait3A_497] : memref<1792x96x224xf32, #tpu.memory_space<hbm>> -> memref<1x48x224xf32, #tpu.memory_space<hbm>>
      %dma_wait3A_499 = tpu.memref_squeeze %dma_wait3A_498 : memref<1x48x224xf32, #tpu.memory_space<hbm>> -> memref<48x224xf32, #tpu.memory_space<hbm>>
      %dma_wait3A_500 = arith.constant 0 : i32
      %dma_wait3A_501 = arith.constant 0 : i32
      %dma_wait3A_502 = tpu.memref_slice %arg6[%dma_wait3A_491, %dma_wait3A_500, %dma_wait3A_501] : memref<8x48x224xf32, #tpu.memory_space<vmem>> -> memref<1x48x224xf32, #tpu.memory_space<vmem>>
      %dma_wait3A_503 = tpu.memref_squeeze %dma_wait3A_502 : memref<1x48x224xf32, #tpu.memory_space<vmem>> -> memref<48x224xf32, #tpu.memory_space<vmem>>
      %dma_wait3A_504 = arith.constant 0 : i32
      %dma_wait3A_505 = arith.constant 0 : i32
      %dma_wait3A_506 = tpu.memref_slice %arg2[%mul3A_2, %dma_wait3A_504, %dma_wait3A_505] : memref<1792x96x224xf32, #tpu.memory_space<hbm>> -> memref<1x48x224xf32, #tpu.memory_space<hbm>>
      %dma_wait3A_507 = tpu.memref_squeeze %dma_wait3A_506 : memref<1x48x224xf32, #tpu.memory_space<hbm>> -> memref<48x224xf32, #tpu.memory_space<hbm>>
      tpu.wait_dma2 semaphore(%arg10 : memref<!tpu.dma_semaphore, #tpu.memory_space<semaphore_mem>>) src(%dma_wait3A_507 : memref<48x224xf32, #tpu.memory_space<hbm>>) dst(%dma_wait3A_503 : memref<48x224xf32, #tpu.memory_space<vmem>>)
      %jit3A_508 = arith.constant 2 : i32
      %div3A_509 = arith.divsi %add3A_280, %jit3A_508 : i32
      %sign3A_510 = arith.constant 0 : i32
      %sign3A_511 = arith.cmpi sgt, %add3A_280, %sign3A_510 : i32
      %sign3A_512 = arith.extui %sign3A_511 : i1 to i32
      %sign3A_513 = arith.constant 0 : i32
      %sign3A_514 = arith.cmpi slt, %add3A_280, %sign3A_513 : i32
      %sign3A_515 = arith.extui %sign3A_514 : i1 to i32
      %sign3A_516 = arith.subi %sign3A_512, %sign3A_515 : i32
      %sign3A_517 = arith.constant 0 : i32
      %sign3A_518 = arith.cmpi sgt, %jit3A_508, %sign3A_517 : i32
      %sign3A_519 = arith.extui %sign3A_518 : i1 to i32
      %sign3A_520 = arith.constant 0 : i32
      %sign3A_521 = arith.cmpi slt, %jit3A_508, %sign3A_520 : i32
      %sign3A_522 = arith.extui %sign3A_521 : i1 to i32
      %sign3A_523 = arith.subi %sign3A_519, %sign3A_522 : i32
      %ne3A_524 = arith.cmpi ne, %sign3A_516, %sign3A_523 : i32
      %rem3A_525 = arith.remsi %add3A_280, %jit3A_508 : i32
      %ne3A_526 = arith.constant 0 : i32
      %ne3A_527 = arith.cmpi ne, %rem3A_525, %ne3A_526 : i32
      %and3A_528 = arith.andi %ne3A_524, %ne3A_527 : i1
      %sub3A_529 = arith.constant 1 : i32
      %sub3A_530 = arith.subi %div3A_509, %sub3A_529 : i32
      %select_n3A_531 = arith.select %and3A_528, %sub3A_530, %div3A_509 : i32
      %add3A_532 = arith.constant 1 : i32
      %add3A_533 = arith.addi %select_n3A_531, %add3A_532 : i32
      %add3A_534 = arith.addi %mul3A_2, %add3A_533 : i32
      %dma_start3A_535 = arith.constant 3 : i32
      %dma_start3A_536 = arith.constant 0 : i32
      %dma_start3A_537 = arith.constant 0 : i32
      %dma_start3A_538 = tpu.memref_slice %arg6[%dma_start3A_535, %dma_start3A_536, %dma_start3A_537] : memref<8x48x224xf32, #tpu.memory_space<vmem>> -> memref<1x48x224xf32, #tpu.memory_space<vmem>>
      %dma_start3A_539 = tpu.memref_squeeze %dma_start3A_538 : memref<1x48x224xf32, #tpu.memory_space<vmem>> -> memref<48x224xf32, #tpu.memory_space<vmem>>
      %dma_start3A_540 = arith.constant 48 : i32
      %dma_start3A_541 = arith.constant 0 : i32
      %dma_start3A_542 = tpu.memref_slice %arg4[%add3A_534, %dma_start3A_540, %dma_start3A_541] : memref<1792x96x224xf32, #tpu.memory_space<hbm>> -> memref<1x48x224xf32, #tpu.memory_space<hbm>>
      %dma_start3A_543 = tpu.memref_squeeze %dma_start3A_542 : memref<1x48x224xf32, #tpu.memory_space<hbm>> -> memref<48x224xf32, #tpu.memory_space<hbm>>
      %dma_start3A_544 = arith.constant 48 : i32
      %dma_start3A_545 = arith.constant 0 : i32
      %dma_start3A_546 = tpu.memref_slice %arg4[%add3A_534, %dma_start3A_544, %dma_start3A_545] : memref<1792x96x224xf32, #tpu.memory_space<hbm>> -> memref<1x48x224xf32, #tpu.memory_space<hbm>>
      %dma_start3A_547 = tpu.memref_squeeze %dma_start3A_546 : memref<1x48x224xf32, #tpu.memory_space<hbm>> -> memref<48x224xf32, #tpu.memory_space<hbm>>
      %dma_start3A_548 = arith.constant 0 : i32
      %dma_start3A_549 = arith.constant 0 : i32
      %dma_start3A_550 = tpu.memref_slice %arg6[%dma_start3A_535, %dma_start3A_548, %dma_start3A_549] : memref<8x48x224xf32, #tpu.memory_space<vmem>> -> memref<1x48x224xf32, #tpu.memory_space<vmem>>
      %dma_start3A_551 = tpu.memref_squeeze %dma_start3A_550 : memref<1x48x224xf32, #tpu.memory_space<vmem>> -> memref<48x224xf32, #tpu.memory_space<vmem>>
      tpu.enqueue_dma source(%dma_start3A_551 : memref<48x224xf32, #tpu.memory_space<vmem>>) target(%dma_start3A_547 : memref<48x224xf32, #tpu.memory_space<hbm>>) target_semaphore(%arg18 : memref<!tpu.dma_semaphore, #tpu.memory_space<semaphore_mem>>)
      %add3A_552 = arith.constant 4 : i32
      %add3A_553 = arith.addi %add3A_280, %add3A_552 : i32
      %add3A_554 = arith.constant 4 : i32
      %add3A_555 = arith.addi %add3A_553, %add3A_554 : i32
      %lt3A_556 = arith.constant 112 : i32
      %lt3A_557 = arith.cmpi slt, %add3A_555, %lt3A_556 : i32
      %convert_element_type3A_558 = arith.extui %lt3A_557 : i1 to i32
      %cond3A_559 = arith.constant 0 : i32
      %cond3A_560 = arith.cmpi ne, %convert_element_type3A_558, %cond3A_559 : i32
      scf.if %cond3A_560 {
        %add3A_832 = arith.constant 4 : i32
        %add3A_833 = arith.addi %add3A_553, %add3A_832 : i32
        %ge3A = arith.constant 8 : i32
        %ge3A_834 = arith.cmpi sge, %add3A_833, %ge3A : i32
        %convert_element_type3A_835 = arith.extui %ge3A_834 : i1 to i32
        %cond3A_836 = arith.constant 0 : i32
        %cond3A_837 = arith.cmpi ne, %convert_element_type3A_835, %cond3A_836 : i32
        scf.if %cond3A_837 {
          %dma_wait3A_939 = arith.constant 0 : i32
          %dma_wait3A_940 = arith.constant 0 : i32
          %dma_wait3A_941 = arith.constant 0 : i32
          %dma_wait3A_942 = tpu.memref_slice %arg6[%dma_wait3A_939, %dma_wait3A_940, %dma_wait3A_941] : memref<8x48x224xf32, #tpu.memory_space<vmem>> -> memref<1x48x224xf32, #tpu.memory_space<vmem>>
          %dma_wait3A_943 = tpu.memref_squeeze %dma_wait3A_942 : memref<1x48x224xf32, #tpu.memory_space<vmem>> -> memref<48x224xf32, #tpu.memory_space<vmem>>
          %dma_wait3A_944 = arith.constant 0 : i32
          %dma_wait3A_945 = arith.constant 0 : i32
          %dma_wait3A_946 = tpu.memref_slice %arg4[%mul3A_2, %dma_wait3A_944, %dma_wait3A_945] : memref<1792x96x224xf32, #tpu.memory_space<hbm>> -> memref<1x48x224xf32, #tpu.memory_space<hbm>>
          %dma_wait3A_947 = tpu.memref_squeeze %dma_wait3A_946 : memref<1x48x224xf32, #tpu.memory_space<hbm>> -> memref<48x224xf32, #tpu.memory_space<hbm>>
          %dma_wait3A_948 = arith.constant 0 : i32
          %dma_wait3A_949 = arith.constant 0 : i32
          %dma_wait3A_950 = tpu.memref_slice %arg4[%mul3A_2, %dma_wait3A_948, %dma_wait3A_949] : memref<1792x96x224xf32, #tpu.memory_space<hbm>> -> memref<1x48x224xf32, #tpu.memory_space<hbm>>
          %dma_wait3A_951 = tpu.memref_squeeze %dma_wait3A_950 : memref<1x48x224xf32, #tpu.memory_space<hbm>> -> memref<48x224xf32, #tpu.memory_space<hbm>>
          %dma_wait3A_952 = arith.constant 0 : i32
          %dma_wait3A_953 = arith.constant 0 : i32
          %dma_wait3A_954 = tpu.memref_slice %arg6[%dma_wait3A_939, %dma_wait3A_952, %dma_wait3A_953] : memref<8x48x224xf32, #tpu.memory_space<vmem>> -> memref<1x48x224xf32, #tpu.memory_space<vmem>>
          %dma_wait3A_955 = tpu.memref_squeeze %dma_wait3A_954 : memref<1x48x224xf32, #tpu.memory_space<vmem>> -> memref<48x224xf32, #tpu.memory_space<vmem>>
          tpu.wait_dma2 semaphore(%arg15 : memref<!tpu.dma_semaphore, #tpu.memory_space<semaphore_mem>>) src(%dma_wait3A_955 : memref<48x224xf32, #tpu.memory_space<vmem>>) dst(%dma_wait3A_951 : memref<48x224xf32, #tpu.memory_space<hbm>>)
        } else {
        }
        %jit3A_838 = arith.constant 2 : i32
        %div3A_839 = arith.divsi %add3A_280, %jit3A_838 : i32
        %sign3A_840 = arith.constant 0 : i32
        %sign3A_841 = arith.cmpi sgt, %add3A_280, %sign3A_840 : i32
        %sign3A_842 = arith.extui %sign3A_841 : i1 to i32
        %sign3A_843 = arith.constant 0 : i32
        %sign3A_844 = arith.cmpi slt, %add3A_280, %sign3A_843 : i32
        %sign3A_845 = arith.extui %sign3A_844 : i1 to i32
        %sign3A_846 = arith.subi %sign3A_842, %sign3A_845 : i32
        %sign3A_847 = arith.constant 0 : i32
        %sign3A_848 = arith.cmpi sgt, %jit3A_838, %sign3A_847 : i32
        %sign3A_849 = arith.extui %sign3A_848 : i1 to i32
        %sign3A_850 = arith.constant 0 : i32
        %sign3A_851 = arith.cmpi slt, %jit3A_838, %sign3A_850 : i32
        %sign3A_852 = arith.extui %sign3A_851 : i1 to i32
        %sign3A_853 = arith.subi %sign3A_849, %sign3A_852 : i32
        %ne3A_854 = arith.cmpi ne, %sign3A_846, %sign3A_853 : i32
        %rem3A_855 = arith.remsi %add3A_280, %jit3A_838 : i32
        %ne3A_856 = arith.constant 0 : i32
        %ne3A_857 = arith.cmpi ne, %rem3A_855, %ne3A_856 : i32
        %and3A_858 = arith.andi %ne3A_854, %ne3A_857 : i1
        %sub3A_859 = arith.constant 1 : i32
        %sub3A_860 = arith.subi %div3A_839, %sub3A_859 : i32
        %select_n3A_861 = arith.select %and3A_858, %sub3A_860, %div3A_839 : i32
        %add3A_862 = arith.constant 4 : i32
        %add3A_863 = arith.addi %select_n3A_861, %add3A_862 : i32
        %jit3A_864 = arith.constant 16 : i32
        %div3A_865 = arith.divsi %add3A_863, %jit3A_864 : i32
        %sign3A_866 = arith.constant 0 : i32
        %sign3A_867 = arith.cmpi sgt, %add3A_863, %sign3A_866 : i32
        %sign3A_868 = arith.extui %sign3A_867 : i1 to i32
        %sign3A_869 = arith.constant 0 : i32
        %sign3A_870 = arith.cmpi slt, %add3A_863, %sign3A_869 : i32
        %sign3A_871 = arith.extui %sign3A_870 : i1 to i32
        %sign3A_872 = arith.subi %sign3A_868, %sign3A_871 : i32
        %sign3A_873 = arith.constant 0 : i32
        %sign3A_874 = arith.cmpi sgt, %jit3A_864, %sign3A_873 : i32
        %sign3A_875 = arith.extui %sign3A_874 : i1 to i32
        %sign3A_876 = arith.constant 0 : i32
        %sign3A_877 = arith.cmpi slt, %jit3A_864, %sign3A_876 : i32
        %sign3A_878 = arith.extui %sign3A_877 : i1 to i32
        %sign3A_879 = arith.subi %sign3A_875, %sign3A_878 : i32
        %ne3A_880 = arith.cmpi ne, %sign3A_872, %sign3A_879 : i32
        %rem3A_881 = arith.remsi %add3A_863, %jit3A_864 : i32
        %ne3A_882 = arith.constant 0 : i32
        %ne3A_883 = arith.cmpi ne, %rem3A_881, %ne3A_882 : i32
        %and3A_884 = arith.andi %ne3A_880, %ne3A_883 : i1
        %sub3A_885 = arith.constant 1 : i32
        %sub3A_886 = arith.subi %div3A_865, %sub3A_885 : i32
        %select_n3A_887 = arith.select %and3A_884, %sub3A_886, %div3A_865 : i32
        %mul3A_888 = arith.constant 16 : i32
        %mul3A_889 = arith.muli %select_n3A_887, %mul3A_888 : i32
        %multiple_of3A_890 = tpu.assume_multiple %mul3A_889, 16 : i32
        %get3A_891 = arith.index_cast %multiple_of3A_890 : i32 to index
        %get3A_892 = tpu.vector_load %arg5[%get3A_891] {strides = array<i32>} : memref<64xi32, #tpu.memory_space<vmem>>, vector<16xi32>,
        %jit3A_893 = arith.constant 16 : i32
        %eq3A_894 = arith.constant 0 : i32
        %eq3A_895 = arith.cmpi eq, %jit3A_893, %eq3A_894 : i32
        %jit3A_896 = arith.constant 1 : i32
        %select_n3A_897 = arith.select %eq3A_895, %jit3A_896, %jit3A_893 : i32
        %rem3A_898 = arith.remsi %add3A_863, %select_n3A_897 : i32
        %ne3A_899 = arith.constant 0 : i32
        %ne3A_900 = arith.cmpi ne, %rem3A_898, %ne3A_899 : i32
        %lt3A_901 = arith.constant 0 : i32
        %lt3A_902 = arith.cmpi slt, %rem3A_898, %lt3A_901 : i32
        %lt3A_903 = arith.constant 0 : i32
        %lt3A_904 = arith.cmpi slt, %select_n3A_897, %lt3A_903 : i32
        %ne3A_905 = arith.xori %lt3A_902, %lt3A_904 : i1
        %and3A_906 = arith.andi %ne3A_905, %ne3A_900 : i1
        %add3A_907 = arith.addi %rem3A_898, %select_n3A_897 : i32
        %select_n3A_908 = arith.select %and3A_906, %add3A_907, %rem3A_898 : i32
        %eq3A_909 = vector.broadcast %select_n3A_908 : i32 to vector<16xi32>
        %eq3A_910 = arith.cmpi eq, %iota3A, %eq3A_909 : vector<16xi32>
        %jit3A_911 = arith.constant 0 : i32
        %broadcast_in_dim3A_912 = vector.broadcast %jit3A_911 : i32 to vector<16xi32>
        %select_n3A_913 = arith.select %eq3A_910, %get3A_892, %broadcast_in_dim3A_912 : vector<16xi1>, vector<16xi32>
        %reduce_max3A_914 = arith.constant true
        %reduce_max3A_915 = vector.broadcast %reduce_max3A_914 : i1 to vector<16xi1>
        %reduce_max3A_916 = arith.constant -2147483648 : i32
        %reduce_max3A_917 = vector.broadcast %reduce_max3A_916 : i32 to vector<16xi32>
        %reduce_max3A_918 = arith.xori %select_n3A_913, %reduce_max3A_917 : vector<16xi32>
        %reduce_max3A_919 = tpu.scan <max>, %reduce_max3A_918 masked %reduce_max3A_915 : vector<16xi32>, vector<16xi1> -> vector<16xi32>
        %reduce_max3A_920 = arith.xori %reduce_max3A_919, %reduce_max3A_917 : vector<16xi32>
        %reduce_max3A_921 = vector.extract %reduce_max3A_920[15] : i32 from vector<16xi32>
        %dma_start3A_922 = arith.constant 0 : i32
        %dma_start3A_923 = arith.constant 0 : i32
        %dma_start3A_924 = arith.constant 0 : i32
        %dma_start3A_925 = tpu.memref_slice %arg6[%dma_start3A_922, %dma_start3A_923, %dma_start3A_924] : memref<8x48x224xf32, #tpu.memory_space<vmem>> -> memref<1x48x224xf32, #tpu.memory_space<vmem>>
        %dma_start3A_926 = tpu.memref_squeeze %dma_start3A_925 : memref<1x48x224xf32, #tpu.memory_space<vmem>> -> memref<48x224xf32, #tpu.memory_space<vmem>>
        %dma_start3A_927 = arith.constant 0 : i32
        %dma_start3A_928 = arith.constant 0 : i32
        %dma_start3A_929 = tpu.memref_slice %arg2[%reduce_max3A_921, %dma_start3A_927, %dma_start3A_928] : memref<1792x96x224xf32, #tpu.memory_space<hbm>> -> memref<1x48x224xf32, #tpu.memory_space<hbm>>
        %dma_start3A_930 = tpu.memref_squeeze %dma_start3A_929 : memref<1x48x224xf32, #tpu.memory_space<hbm>> -> memref<48x224xf32, #tpu.memory_space<hbm>>
        %dma_start3A_931 = arith.constant 0 : i32
        %dma_start3A_932 = arith.constant 0 : i32
        %dma_start3A_933 = tpu.memref_slice %arg6[%dma_start3A_922, %dma_start3A_931, %dma_start3A_932] : memref<8x48x224xf32, #tpu.memory_space<vmem>> -> memref<1x48x224xf32, #tpu.memory_space<vmem>>
        %dma_start3A_934 = tpu.memref_squeeze %dma_start3A_933 : memref<1x48x224xf32, #tpu.memory_space<vmem>> -> memref<48x224xf32, #tpu.memory_space<vmem>>
        %dma_start3A_935 = arith.constant 0 : i32
        %dma_start3A_936 = arith.constant 0 : i32
        %dma_start3A_937 = tpu.memref_slice %arg2[%reduce_max3A_921, %dma_start3A_935, %dma_start3A_936] : memref<1792x96x224xf32, #tpu.memory_space<hbm>> -> memref<1x48x224xf32, #tpu.memory_space<hbm>>
        %dma_start3A_938 = tpu.memref_squeeze %dma_start3A_937 : memref<1x48x224xf32, #tpu.memory_space<hbm>> -> memref<48x224xf32, #tpu.memory_space<hbm>>
        tpu.enqueue_dma source(%dma_start3A_938 : memref<48x224xf32, #tpu.memory_space<hbm>>) target(%dma_start3A_934 : memref<48x224xf32, #tpu.memory_space<vmem>>) target_semaphore(%arg7 : memref<!tpu.dma_semaphore, #tpu.memory_space<semaphore_mem>>)
      } else {
      }
      %dma_wait3A_561 = arith.constant 4 : i32
      %dma_wait3A_562 = arith.constant 0 : i32
      %dma_wait3A_563 = arith.constant 0 : i32
      %dma_wait3A_564 = tpu.memref_slice %arg6[%dma_wait3A_561, %dma_wait3A_562, %dma_wait3A_563] : memref<8x48x224xf32, #tpu.memory_space<vmem>> -> memref<1x48x224xf32, #tpu.memory_space<vmem>>
      %dma_wait3A_565 = tpu.memref_squeeze %dma_wait3A_564 : memref<1x48x224xf32, #tpu.memory_space<vmem>> -> memref<48x224xf32, #tpu.memory_space<vmem>>
      %dma_wait3A_566 = arith.constant 0 : i32
      %dma_wait3A_567 = arith.constant 0 : i32
      %dma_wait3A_568 = tpu.memref_slice %arg2[%mul3A_2, %dma_wait3A_566, %dma_wait3A_567] : memref<1792x96x224xf32, #tpu.memory_space<hbm>> -> memref<1x48x224xf32, #tpu.memory_space<hbm>>
      %dma_wait3A_569 = tpu.memref_squeeze %dma_wait3A_568 : memref<1x48x224xf32, #tpu.memory_space<hbm>> -> memref<48x224xf32, #tpu.memory_space<hbm>>
      %dma_wait3A_570 = arith.constant 0 : i32
      %dma_wait3A_571 = arith.constant 0 : i32
      %dma_wait3A_572 = tpu.memref_slice %arg6[%dma_wait3A_561, %dma_wait3A_570, %dma_wait3A_571] : memref<8x48x224xf32, #tpu.memory_space<vmem>> -> memref<1x48x224xf32, #tpu.memory_space<vmem>>
      %dma_wait3A_573 = tpu.memref_squeeze %dma_wait3A_572 : memref<1x48x224xf32, #tpu.memory_space<vmem>> -> memref<48x224xf32, #tpu.memory_space<vmem>>
      %dma_wait3A_574 = arith.constant 0 : i32
      %dma_wait3A_575 = arith.constant 0 : i32
      %dma_wait3A_576 = tpu.memref_slice %arg2[%mul3A_2, %dma_wait3A_574, %dma_wait3A_575] : memref<1792x96x224xf32, #tpu.memory_space<hbm>> -> memref<1x48x224xf32, #tpu.memory_space<hbm>>
      %dma_wait3A_577 = tpu.memref_squeeze %dma_wait3A_576 : memref<1x48x224xf32, #tpu.memory_space<hbm>> -> memref<48x224xf32, #tpu.memory_space<hbm>>
      tpu.wait_dma2 semaphore(%arg11 : memref<!tpu.dma_semaphore, #tpu.memory_space<semaphore_mem>>) src(%dma_wait3A_577 : memref<48x224xf32, #tpu.memory_space<hbm>>) dst(%dma_wait3A_573 : memref<48x224xf32, #tpu.memory_space<vmem>>)
      %jit3A_578 = arith.constant 2 : i32
      %div3A_579 = arith.divsi %add3A_280, %jit3A_578 : i32
      %sign3A_580 = arith.constant 0 : i32
      %sign3A_581 = arith.cmpi sgt, %add3A_280, %sign3A_580 : i32
      %sign3A_582 = arith.extui %sign3A_581 : i1 to i32
      %sign3A_583 = arith.constant 0 : i32
      %sign3A_584 = arith.cmpi slt, %add3A_280, %sign3A_583 : i32
      %sign3A_585 = arith.extui %sign3A_584 : i1 to i32
      %sign3A_586 = arith.subi %sign3A_582, %sign3A_585 : i32
      %sign3A_587 = arith.constant 0 : i32
      %sign3A_588 = arith.cmpi sgt, %jit3A_578, %sign3A_587 : i32
      %sign3A_589 = arith.extui %sign3A_588 : i1 to i32
      %sign3A_590 = arith.constant 0 : i32
      %sign3A_591 = arith.cmpi slt, %jit3A_578, %sign3A_590 : i32
      %sign3A_592 = arith.extui %sign3A_591 : i1 to i32
      %sign3A_593 = arith.subi %sign3A_589, %sign3A_592 : i32
      %ne3A_594 = arith.cmpi ne, %sign3A_586, %sign3A_593 : i32
      %rem3A_595 = arith.remsi %add3A_280, %jit3A_578 : i32
      %ne3A_596 = arith.constant 0 : i32
      %ne3A_597 = arith.cmpi ne, %rem3A_595, %ne3A_596 : i32
      %and3A_598 = arith.andi %ne3A_594, %ne3A_597 : i1
      %sub3A_599 = arith.constant 1 : i32
      %sub3A_600 = arith.subi %div3A_579, %sub3A_599 : i32
      %select_n3A_601 = arith.select %and3A_598, %sub3A_600, %div3A_579 : i32
      %add3A_602 = arith.constant 2 : i32
      %add3A_603 = arith.addi %select_n3A_601, %add3A_602 : i32
      %add3A_604 = arith.addi %mul3A_2, %add3A_603 : i32
      %dma_start3A_605 = arith.constant 4 : i32
      %dma_start3A_606 = arith.constant 0 : i32
      %dma_start3A_607 = arith.constant 0 : i32
      %dma_start3A_608 = tpu.memref_slice %arg6[%dma_start3A_605, %dma_start3A_606, %dma_start3A_607] : memref<8x48x224xf32, #tpu.memory_space<vmem>> -> memref<1x48x224xf32, #tpu.memory_space<vmem>>
      %dma_start3A_609 = tpu.memref_squeeze %dma_start3A_608 : memref<1x48x224xf32, #tpu.memory_space<vmem>> -> memref<48x224xf32, #tpu.memory_space<vmem>>
      %dma_start3A_610 = arith.constant 0 : i32
      %dma_start3A_611 = arith.constant 0 : i32
      %dma_start3A_612 = tpu.memref_slice %arg4[%add3A_604, %dma_start3A_610, %dma_start3A_611] : memref<1792x96x224xf32, #tpu.memory_space<hbm>> -> memref<1x48x224xf32, #tpu.memory_space<hbm>>
      %dma_start3A_613 = tpu.memref_squeeze %dma_start3A_612 : memref<1x48x224xf32, #tpu.memory_space<hbm>> -> memref<48x224xf32, #tpu.memory_space<hbm>>
      %dma_start3A_614 = arith.constant 0 : i32
      %dma_start3A_615 = arith.constant 0 : i32
      %dma_start3A_616 = tpu.memref_slice %arg4[%add3A_604, %dma_start3A_614, %dma_start3A_615] : memref<1792x96x224xf32, #tpu.memory_space<hbm>> -> memref<1x48x224xf32, #tpu.memory_space<hbm>>
      %dma_start3A_617 = tpu.memref_squeeze %dma_start3A_616 : memref<1x48x224xf32, #tpu.memory_space<hbm>> -> memref<48x224xf32, #tpu.memory_space<hbm>>
      %dma_start3A_618 = arith.constant 0 : i32
      %dma_start3A_619 = arith.constant 0 : i32
      %dma_start3A_620 = tpu.memref_slice %arg6[%dma_start3A_605, %dma_start3A_618, %dma_start3A_619] : memref<8x48x224xf32, #tpu.memory_space<vmem>> -> memref<1x48x224xf32, #tpu.memory_space<vmem>>
      %dma_start3A_621 = tpu.memref_squeeze %dma_start3A_620 : memref<1x48x224xf32, #tpu.memory_space<vmem>> -> memref<48x224xf32, #tpu.memory_space<vmem>>
      tpu.enqueue_dma source(%dma_start3A_621 : memref<48x224xf32, #tpu.memory_space<vmem>>) target(%dma_start3A_617 : memref<48x224xf32, #tpu.memory_space<hbm>>) target_semaphore(%arg19 : memref<!tpu.dma_semaphore, #tpu.memory_space<semaphore_mem>>)
      %add3A_622 = arith.constant 5 : i32
      %add3A_623 = arith.addi %add3A_280, %add3A_622 : i32
      %add3A_624 = arith.constant 4 : i32
      %add3A_625 = arith.addi %add3A_623, %add3A_624 : i32
      %lt3A_626 = arith.constant 112 : i32
      %lt3A_627 = arith.cmpi slt, %add3A_625, %lt3A_626 : i32
      %convert_element_type3A_628 = arith.extui %lt3A_627 : i1 to i32
      %cond3A_629 = arith.constant 0 : i32
      %cond3A_630 = arith.cmpi ne, %convert_element_type3A_628, %cond3A_629 : i32
      scf.if %cond3A_630 {
        %add3A_832 = arith.constant 4 : i32
        %add3A_833 = arith.addi %add3A_623, %add3A_832 : i32
        %ge3A = arith.constant 8 : i32
        %ge3A_834 = arith.cmpi sge, %add3A_833, %ge3A : i32
        %convert_element_type3A_835 = arith.extui %ge3A_834 : i1 to i32
        %cond3A_836 = arith.constant 0 : i32
        %cond3A_837 = arith.cmpi ne, %convert_element_type3A_835, %cond3A_836 : i32
        scf.if %cond3A_837 {
          %dma_wait3A_939 = arith.constant 1 : i32
          %dma_wait3A_940 = arith.constant 0 : i32
          %dma_wait3A_941 = arith.constant 0 : i32
          %dma_wait3A_942 = tpu.memref_slice %arg6[%dma_wait3A_939, %dma_wait3A_940, %dma_wait3A_941] : memref<8x48x224xf32, #tpu.memory_space<vmem>> -> memref<1x48x224xf32, #tpu.memory_space<vmem>>
          %dma_wait3A_943 = tpu.memref_squeeze %dma_wait3A_942 : memref<1x48x224xf32, #tpu.memory_space<vmem>> -> memref<48x224xf32, #tpu.memory_space<vmem>>
          %dma_wait3A_944 = arith.constant 0 : i32
          %dma_wait3A_945 = arith.constant 0 : i32
          %dma_wait3A_946 = tpu.memref_slice %arg4[%mul3A_2, %dma_wait3A_944, %dma_wait3A_945] : memref<1792x96x224xf32, #tpu.memory_space<hbm>> -> memref<1x48x224xf32, #tpu.memory_space<hbm>>
          %dma_wait3A_947 = tpu.memref_squeeze %dma_wait3A_946 : memref<1x48x224xf32, #tpu.memory_space<hbm>> -> memref<48x224xf32, #tpu.memory_space<hbm>>
          %dma_wait3A_948 = arith.constant 0 : i32
          %dma_wait3A_949 = arith.constant 0 : i32
          %dma_wait3A_950 = tpu.memref_slice %arg4[%mul3A_2, %dma_wait3A_948, %dma_wait3A_949] : memref<1792x96x224xf32, #tpu.memory_space<hbm>> -> memref<1x48x224xf32, #tpu.memory_space<hbm>>
          %dma_wait3A_951 = tpu.memref_squeeze %dma_wait3A_950 : memref<1x48x224xf32, #tpu.memory_space<hbm>> -> memref<48x224xf32, #tpu.memory_space<hbm>>
          %dma_wait3A_952 = arith.constant 0 : i32
          %dma_wait3A_953 = arith.constant 0 : i32
          %dma_wait3A_954 = tpu.memref_slice %arg6[%dma_wait3A_939, %dma_wait3A_952, %dma_wait3A_953] : memref<8x48x224xf32, #tpu.memory_space<vmem>> -> memref<1x48x224xf32, #tpu.memory_space<vmem>>
          %dma_wait3A_955 = tpu.memref_squeeze %dma_wait3A_954 : memref<1x48x224xf32, #tpu.memory_space<vmem>> -> memref<48x224xf32, #tpu.memory_space<vmem>>
          tpu.wait_dma2 semaphore(%arg16 : memref<!tpu.dma_semaphore, #tpu.memory_space<semaphore_mem>>) src(%dma_wait3A_955 : memref<48x224xf32, #tpu.memory_space<vmem>>) dst(%dma_wait3A_951 : memref<48x224xf32, #tpu.memory_space<hbm>>)
        } else {
        }
        %jit3A_838 = arith.constant 2 : i32
        %div3A_839 = arith.divsi %add3A_280, %jit3A_838 : i32
        %sign3A_840 = arith.constant 0 : i32
        %sign3A_841 = arith.cmpi sgt, %add3A_280, %sign3A_840 : i32
        %sign3A_842 = arith.extui %sign3A_841 : i1 to i32
        %sign3A_843 = arith.constant 0 : i32
        %sign3A_844 = arith.cmpi slt, %add3A_280, %sign3A_843 : i32
        %sign3A_845 = arith.extui %sign3A_844 : i1 to i32
        %sign3A_846 = arith.subi %sign3A_842, %sign3A_845 : i32
        %sign3A_847 = arith.constant 0 : i32
        %sign3A_848 = arith.cmpi sgt, %jit3A_838, %sign3A_847 : i32
        %sign3A_849 = arith.extui %sign3A_848 : i1 to i32
        %sign3A_850 = arith.constant 0 : i32
        %sign3A_851 = arith.cmpi slt, %jit3A_838, %sign3A_850 : i32
        %sign3A_852 = arith.extui %sign3A_851 : i1 to i32
        %sign3A_853 = arith.subi %sign3A_849, %sign3A_852 : i32
        %ne3A_854 = arith.cmpi ne, %sign3A_846, %sign3A_853 : i32
        %rem3A_855 = arith.remsi %add3A_280, %jit3A_838 : i32
        %ne3A_856 = arith.constant 0 : i32
        %ne3A_857 = arith.cmpi ne, %rem3A_855, %ne3A_856 : i32
        %and3A_858 = arith.andi %ne3A_854, %ne3A_857 : i1
        %sub3A_859 = arith.constant 1 : i32
        %sub3A_860 = arith.subi %div3A_839, %sub3A_859 : i32
        %select_n3A_861 = arith.select %and3A_858, %sub3A_860, %div3A_839 : i32
        %add3A_862 = arith.constant 4 : i32
        %add3A_863 = arith.addi %select_n3A_861, %add3A_862 : i32
        %jit3A_864 = arith.constant 16 : i32
        %div3A_865 = arith.divsi %add3A_863, %jit3A_864 : i32
        %sign3A_866 = arith.constant 0 : i32
        %sign3A_867 = arith.cmpi sgt, %add3A_863, %sign3A_866 : i32
        %sign3A_868 = arith.extui %sign3A_867 : i1 to i32
        %sign3A_869 = arith.constant 0 : i32
        %sign3A_870 = arith.cmpi slt, %add3A_863, %sign3A_869 : i32
        %sign3A_871 = arith.extui %sign3A_870 : i1 to i32
        %sign3A_872 = arith.subi %sign3A_868, %sign3A_871 : i32
        %sign3A_873 = arith.constant 0 : i32
        %sign3A_874 = arith.cmpi sgt, %jit3A_864, %sign3A_873 : i32
        %sign3A_875 = arith.extui %sign3A_874 : i1 to i32
        %sign3A_876 = arith.constant 0 : i32
        %sign3A_877 = arith.cmpi slt, %jit3A_864, %sign3A_876 : i32
        %sign3A_878 = arith.extui %sign3A_877 : i1 to i32
        %sign3A_879 = arith.subi %sign3A_875, %sign3A_878 : i32
        %ne3A_880 = arith.cmpi ne, %sign3A_872, %sign3A_879 : i32
        %rem3A_881 = arith.remsi %add3A_863, %jit3A_864 : i32
        %ne3A_882 = arith.constant 0 : i32
        %ne3A_883 = arith.cmpi ne, %rem3A_881, %ne3A_882 : i32
        %and3A_884 = arith.andi %ne3A_880, %ne3A_883 : i1
        %sub3A_885 = arith.constant 1 : i32
        %sub3A_886 = arith.subi %div3A_865, %sub3A_885 : i32
        %select_n3A_887 = arith.select %and3A_884, %sub3A_886, %div3A_865 : i32
        %mul3A_888 = arith.constant 16 : i32
        %mul3A_889 = arith.muli %select_n3A_887, %mul3A_888 : i32
        %multiple_of3A_890 = tpu.assume_multiple %mul3A_889, 16 : i32
        %get3A_891 = arith.index_cast %multiple_of3A_890 : i32 to index
        %get3A_892 = tpu.vector_load %arg5[%get3A_891] {strides = array<i32>} : memref<64xi32, #tpu.memory_space<vmem>>, vector<16xi32>,
        %jit3A_893 = arith.constant 16 : i32
        %eq3A_894 = arith.constant 0 : i32
        %eq3A_895 = arith.cmpi eq, %jit3A_893, %eq3A_894 : i32
        %jit3A_896 = arith.constant 1 : i32
        %select_n3A_897 = arith.select %eq3A_895, %jit3A_896, %jit3A_893 : i32
        %rem3A_898 = arith.remsi %add3A_863, %select_n3A_897 : i32
        %ne3A_899 = arith.constant 0 : i32
        %ne3A_900 = arith.cmpi ne, %rem3A_898, %ne3A_899 : i32
        %lt3A_901 = arith.constant 0 : i32
        %lt3A_902 = arith.cmpi slt, %rem3A_898, %lt3A_901 : i32
        %lt3A_903 = arith.constant 0 : i32
        %lt3A_904 = arith.cmpi slt, %select_n3A_897, %lt3A_903 : i32
        %ne3A_905 = arith.xori %lt3A_902, %lt3A_904 : i1
        %and3A_906 = arith.andi %ne3A_905, %ne3A_900 : i1
        %add3A_907 = arith.addi %rem3A_898, %select_n3A_897 : i32
        %select_n3A_908 = arith.select %and3A_906, %add3A_907, %rem3A_898 : i32
        %eq3A_909 = vector.broadcast %select_n3A_908 : i32 to vector<16xi32>
        %eq3A_910 = arith.cmpi eq, %iota3A, %eq3A_909 : vector<16xi32>
        %jit3A_911 = arith.constant 0 : i32
        %broadcast_in_dim3A_912 = vector.broadcast %jit3A_911 : i32 to vector<16xi32>
        %select_n3A_913 = arith.select %eq3A_910, %get3A_892, %broadcast_in_dim3A_912 : vector<16xi1>, vector<16xi32>
        %reduce_max3A_914 = arith.constant true
        %reduce_max3A_915 = vector.broadcast %reduce_max3A_914 : i1 to vector<16xi1>
        %reduce_max3A_916 = arith.constant -2147483648 : i32
        %reduce_max3A_917 = vector.broadcast %reduce_max3A_916 : i32 to vector<16xi32>
        %reduce_max3A_918 = arith.xori %select_n3A_913, %reduce_max3A_917 : vector<16xi32>
        %reduce_max3A_919 = tpu.scan <max>, %reduce_max3A_918 masked %reduce_max3A_915 : vector<16xi32>, vector<16xi1> -> vector<16xi32>
        %reduce_max3A_920 = arith.xori %reduce_max3A_919, %reduce_max3A_917 : vector<16xi32>
        %reduce_max3A_921 = vector.extract %reduce_max3A_920[15] : i32 from vector<16xi32>
        %dma_start3A_922 = arith.constant 1 : i32
        %dma_start3A_923 = arith.constant 0 : i32
        %dma_start3A_924 = arith.constant 0 : i32
        %dma_start3A_925 = tpu.memref_slice %arg6[%dma_start3A_922, %dma_start3A_923, %dma_start3A_924] : memref<8x48x224xf32, #tpu.memory_space<vmem>> -> memref<1x48x224xf32, #tpu.memory_space<vmem>>
        %dma_start3A_926 = tpu.memref_squeeze %dma_start3A_925 : memref<1x48x224xf32, #tpu.memory_space<vmem>> -> memref<48x224xf32, #tpu.memory_space<vmem>>
        %dma_start3A_927 = arith.constant 48 : i32
        %dma_start3A_928 = arith.constant 0 : i32
        %dma_start3A_929 = tpu.memref_slice %arg2[%reduce_max3A_921, %dma_start3A_927, %dma_start3A_928] : memref<1792x96x224xf32, #tpu.memory_space<hbm>> -> memref<1x48x224xf32, #tpu.memory_space<hbm>>
        %dma_start3A_930 = tpu.memref_squeeze %dma_start3A_929 : memref<1x48x224xf32, #tpu.memory_space<hbm>> -> memref<48x224xf32, #tpu.memory_space<hbm>>
        %dma_start3A_931 = arith.constant 0 : i32
        %dma_start3A_932 = arith.constant 0 : i32
        %dma_start3A_933 = tpu.memref_slice %arg6[%dma_start3A_922, %dma_start3A_931, %dma_start3A_932] : memref<8x48x224xf32, #tpu.memory_space<vmem>> -> memref<1x48x224xf32, #tpu.memory_space<vmem>>
        %dma_start3A_934 = tpu.memref_squeeze %dma_start3A_933 : memref<1x48x224xf32, #tpu.memory_space<vmem>> -> memref<48x224xf32, #tpu.memory_space<vmem>>
        %dma_start3A_935 = arith.constant 48 : i32
        %dma_start3A_936 = arith.constant 0 : i32
        %dma_start3A_937 = tpu.memref_slice %arg2[%reduce_max3A_921, %dma_start3A_935, %dma_start3A_936] : memref<1792x96x224xf32, #tpu.memory_space<hbm>> -> memref<1x48x224xf32, #tpu.memory_space<hbm>>
        %dma_start3A_938 = tpu.memref_squeeze %dma_start3A_937 : memref<1x48x224xf32, #tpu.memory_space<hbm>> -> memref<48x224xf32, #tpu.memory_space<hbm>>
        tpu.enqueue_dma source(%dma_start3A_938 : memref<48x224xf32, #tpu.memory_space<hbm>>) target(%dma_start3A_934 : memref<48x224xf32, #tpu.memory_space<vmem>>) target_semaphore(%arg8 : memref<!tpu.dma_semaphore, #tpu.memory_space<semaphore_mem>>)
      } else {
      }
      %dma_wait3A_631 = arith.constant 5 : i32
      %dma_wait3A_632 = arith.constant 0 : i32
      %dma_wait3A_633 = arith.constant 0 : i32
      %dma_wait3A_634 = tpu.memref_slice %arg6[%dma_wait3A_631, %dma_wait3A_632, %dma_wait3A_633] : memref<8x48x224xf32, #tpu.memory_space<vmem>> -> memref<1x48x224xf32, #tpu.memory_space<vmem>>
      %dma_wait3A_635 = tpu.memref_squeeze %dma_wait3A_634 : memref<1x48x224xf32, #tpu.memory_space<vmem>> -> memref<48x224xf32, #tpu.memory_space<vmem>>
      %dma_wait3A_636 = arith.constant 0 : i32
      %dma_wait3A_637 = arith.constant 0 : i32
      %dma_wait3A_638 = tpu.memref_slice %arg2[%mul3A_2, %dma_wait3A_636, %dma_wait3A_637] : memref<1792x96x224xf32, #tpu.memory_space<hbm>> -> memref<1x48x224xf32, #tpu.memory_space<hbm>>
      %dma_wait3A_639 = tpu.memref_squeeze %dma_wait3A_638 : memref<1x48x224xf32, #tpu.memory_space<hbm>> -> memref<48x224xf32, #tpu.memory_space<hbm>>
      %dma_wait3A_640 = arith.constant 0 : i32
      %dma_wait3A_641 = arith.constant 0 : i32
      %dma_wait3A_642 = tpu.memref_slice %arg6[%dma_wait3A_631, %dma_wait3A_640, %dma_wait3A_641] : memref<8x48x224xf32, #tpu.memory_space<vmem>> -> memref<1x48x224xf32, #tpu.memory_space<vmem>>
      %dma_wait3A_643 = tpu.memref_squeeze %dma_wait3A_642 : memref<1x48x224xf32, #tpu.memory_space<vmem>> -> memref<48x224xf32, #tpu.memory_space<vmem>>
      %dma_wait3A_644 = arith.constant 0 : i32
      %dma_wait3A_645 = arith.constant 0 : i32
      %dma_wait3A_646 = tpu.memref_slice %arg2[%mul3A_2, %dma_wait3A_644, %dma_wait3A_645] : memref<1792x96x224xf32, #tpu.memory_space<hbm>> -> memref<1x48x224xf32, #tpu.memory_space<hbm>>
      %dma_wait3A_647 = tpu.memref_squeeze %dma_wait3A_646 : memref<1x48x224xf32, #tpu.memory_space<hbm>> -> memref<48x224xf32, #tpu.memory_space<hbm>>
      tpu.wait_dma2 semaphore(%arg12 : memref<!tpu.dma_semaphore, #tpu.memory_space<semaphore_mem>>) src(%dma_wait3A_647 : memref<48x224xf32, #tpu.memory_space<hbm>>) dst(%dma_wait3A_643 : memref<48x224xf32, #tpu.memory_space<vmem>>)
      %jit3A_648 = arith.constant 2 : i32
      %div3A_649 = arith.divsi %add3A_280, %jit3A_648 : i32
      %sign3A_650 = arith.constant 0 : i32
      %sign3A_651 = arith.cmpi sgt, %add3A_280, %sign3A_650 : i32
      %sign3A_652 = arith.extui %sign3A_651 : i1 to i32
      %sign3A_653 = arith.constant 0 : i32
      %sign3A_654 = arith.cmpi slt, %add3A_280, %sign3A_653 : i32
      %sign3A_655 = arith.extui %sign3A_654 : i1 to i32
      %sign3A_656 = arith.subi %sign3A_652, %sign3A_655 : i32
      %sign3A_657 = arith.constant 0 : i32
      %sign3A_658 = arith.cmpi sgt, %jit3A_648, %sign3A_657 : i32
      %sign3A_659 = arith.extui %sign3A_658 : i1 to i32
      %sign3A_660 = arith.constant 0 : i32
      %sign3A_661 = arith.cmpi slt, %jit3A_648, %sign3A_660 : i32
      %sign3A_662 = arith.extui %sign3A_661 : i1 to i32
      %sign3A_663 = arith.subi %sign3A_659, %sign3A_662 : i32
      %ne3A_664 = arith.cmpi ne, %sign3A_656, %sign3A_663 : i32
      %rem3A_665 = arith.remsi %add3A_280, %jit3A_648 : i32
      %ne3A_666 = arith.constant 0 : i32
      %ne3A_667 = arith.cmpi ne, %rem3A_665, %ne3A_666 : i32
      %and3A_668 = arith.andi %ne3A_664, %ne3A_667 : i1
      %sub3A_669 = arith.constant 1 : i32
      %sub3A_670 = arith.subi %div3A_649, %sub3A_669 : i32
      %select_n3A_671 = arith.select %and3A_668, %sub3A_670, %div3A_649 : i32
      %add3A_672 = arith.constant 2 : i32
      %add3A_673 = arith.addi %select_n3A_671, %add3A_672 : i32
      %add3A_674 = arith.addi %mul3A_2, %add3A_673 : i32
      %dma_start3A_675 = arith.constant 5 : i32
      %dma_start3A_676 = arith.constant 0 : i32
      %dma_start3A_677 = arith.constant 0 : i32
      %dma_start3A_678 = tpu.memref_slice %arg6[%dma_start3A_675, %dma_start3A_676, %dma_start3A_677] : memref<8x48x224xf32, #tpu.memory_space<vmem>> -> memref<1x48x224xf32, #tpu.memory_space<vmem>>
      %dma_start3A_679 = tpu.memref_squeeze %dma_start3A_678 : memref<1x48x224xf32, #tpu.memory_space<vmem>> -> memref<48x224xf32, #tpu.memory_space<vmem>>
      %dma_start3A_680 = arith.constant 48 : i32
      %dma_start3A_681 = arith.constant 0 : i32
      %dma_start3A_682 = tpu.memref_slice %arg4[%add3A_674, %dma_start3A_680, %dma_start3A_681] : memref<1792x96x224xf32, #tpu.memory_space<hbm>> -> memref<1x48x224xf32, #tpu.memory_space<hbm>>
      %dma_start3A_683 = tpu.memref_squeeze %dma_start3A_682 : memref<1x48x224xf32, #tpu.memory_space<hbm>> -> memref<48x224xf32, #tpu.memory_space<hbm>>
      %dma_start3A_684 = arith.constant 48 : i32
      %dma_start3A_685 = arith.constant 0 : i32
      %dma_start3A_686 = tpu.memref_slice %arg4[%add3A_674, %dma_start3A_684, %dma_start3A_685] : memref<1792x96x224xf32, #tpu.memory_space<hbm>> -> memref<1x48x224xf32, #tpu.memory_space<hbm>>
      %dma_start3A_687 = tpu.memref_squeeze %dma_start3A_686 : memref<1x48x224xf32, #tpu.memory_space<hbm>> -> memref<48x224xf32, #tpu.memory_space<hbm>>
      %dma_start3A_688 = arith.constant 0 : i32
      %dma_start3A_689 = arith.constant 0 : i32
      %dma_start3A_690 = tpu.memref_slice %arg6[%dma_start3A_675, %dma_start3A_688, %dma_start3A_689] : memref<8x48x224xf32, #tpu.memory_space<vmem>> -> memref<1x48x224xf32, #tpu.memory_space<vmem>>
      %dma_start3A_691 = tpu.memref_squeeze %dma_start3A_690 : memref<1x48x224xf32, #tpu.memory_space<vmem>> -> memref<48x224xf32, #tpu.memory_space<vmem>>
      tpu.enqueue_dma source(%dma_start3A_691 : memref<48x224xf32, #tpu.memory_space<vmem>>) target(%dma_start3A_687 : memref<48x224xf32, #tpu.memory_space<hbm>>) target_semaphore(%arg20 : memref<!tpu.dma_semaphore, #tpu.memory_space<semaphore_mem>>)
      %add3A_692 = arith.constant 6 : i32
      %add3A_693 = arith.addi %add3A_280, %add3A_692 : i32
      %add3A_694 = arith.constant 4 : i32
      %add3A_695 = arith.addi %add3A_693, %add3A_694 : i32
      %lt3A_696 = arith.constant 112 : i32
      %lt3A_697 = arith.cmpi slt, %add3A_695, %lt3A_696 : i32
      %convert_element_type3A_698 = arith.extui %lt3A_697 : i1 to i32
      %cond3A_699 = arith.constant 0 : i32
      %cond3A_700 = arith.cmpi ne, %convert_element_type3A_698, %cond3A_699 : i32
      scf.if %cond3A_700 {
        %add3A_832 = arith.constant 4 : i32
        %add3A_833 = arith.addi %add3A_693, %add3A_832 : i32
        %ge3A = arith.constant 8 : i32
        %ge3A_834 = arith.cmpi sge, %add3A_833, %ge3A : i32
        %convert_element_type3A_835 = arith.extui %ge3A_834 : i1 to i32
        %cond3A_836 = arith.constant 0 : i32
        %cond3A_837 = arith.cmpi ne, %convert_element_type3A_835, %cond3A_836 : i32
        scf.if %cond3A_837 {
          %dma_wait3A_939 = arith.constant 2 : i32
          %dma_wait3A_940 = arith.constant 0 : i32
          %dma_wait3A_941 = arith.constant 0 : i32
          %dma_wait3A_942 = tpu.memref_slice %arg6[%dma_wait3A_939, %dma_wait3A_940, %dma_wait3A_941] : memref<8x48x224xf32, #tpu.memory_space<vmem>> -> memref<1x48x224xf32, #tpu.memory_space<vmem>>
          %dma_wait3A_943 = tpu.memref_squeeze %dma_wait3A_942 : memref<1x48x224xf32, #tpu.memory_space<vmem>> -> memref<48x224xf32, #tpu.memory_space<vmem>>
          %dma_wait3A_944 = arith.constant 0 : i32
          %dma_wait3A_945 = arith.constant 0 : i32
          %dma_wait3A_946 = tpu.memref_slice %arg4[%mul3A_2, %dma_wait3A_944, %dma_wait3A_945] : memref<1792x96x224xf32, #tpu.memory_space<hbm>> -> memref<1x48x224xf32, #tpu.memory_space<hbm>>
          %dma_wait3A_947 = tpu.memref_squeeze %dma_wait3A_946 : memref<1x48x224xf32, #tpu.memory_space<hbm>> -> memref<48x224xf32, #tpu.memory_space<hbm>>
          %dma_wait3A_948 = arith.constant 0 : i32
          %dma_wait3A_949 = arith.constant 0 : i32
          %dma_wait3A_950 = tpu.memref_slice %arg4[%mul3A_2, %dma_wait3A_948, %dma_wait3A_949] : memref<1792x96x224xf32, #tpu.memory_space<hbm>> -> memref<1x48x224xf32, #tpu.memory_space<hbm>>
          %dma_wait3A_951 = tpu.memref_squeeze %dma_wait3A_950 : memref<1x48x224xf32, #tpu.memory_space<hbm>> -> memref<48x224xf32, #tpu.memory_space<hbm>>
          %dma_wait3A_952 = arith.constant 0 : i32
          %dma_wait3A_953 = arith.constant 0 : i32
          %dma_wait3A_954 = tpu.memref_slice %arg6[%dma_wait3A_939, %dma_wait3A_952, %dma_wait3A_953] : memref<8x48x224xf32, #tpu.memory_space<vmem>> -> memref<1x48x224xf32, #tpu.memory_space<vmem>>
          %dma_wait3A_955 = tpu.memref_squeeze %dma_wait3A_954 : memref<1x48x224xf32, #tpu.memory_space<vmem>> -> memref<48x224xf32, #tpu.memory_space<vmem>>
          tpu.wait_dma2 semaphore(%arg17 : memref<!tpu.dma_semaphore, #tpu.memory_space<semaphore_mem>>) src(%dma_wait3A_955 : memref<48x224xf32, #tpu.memory_space<vmem>>) dst(%dma_wait3A_951 : memref<48x224xf32, #tpu.memory_space<hbm>>)
        } else {
        }
        %jit3A_838 = arith.constant 2 : i32
        %div3A_839 = arith.divsi %add3A_280, %jit3A_838 : i32
        %sign3A_840 = arith.constant 0 : i32
        %sign3A_841 = arith.cmpi sgt, %add3A_280, %sign3A_840 : i32
        %sign3A_842 = arith.extui %sign3A_841 : i1 to i32
        %sign3A_843 = arith.constant 0 : i32
        %sign3A_844 = arith.cmpi slt, %add3A_280, %sign3A_843 : i32
        %sign3A_845 = arith.extui %sign3A_844 : i1 to i32
        %sign3A_846 = arith.subi %sign3A_842, %sign3A_845 : i32
        %sign3A_847 = arith.constant 0 : i32
        %sign3A_848 = arith.cmpi sgt, %jit3A_838, %sign3A_847 : i32
        %sign3A_849 = arith.extui %sign3A_848 : i1 to i32
        %sign3A_850 = arith.constant 0 : i32
        %sign3A_851 = arith.cmpi slt, %jit3A_838, %sign3A_850 : i32
        %sign3A_852 = arith.extui %sign3A_851 : i1 to i32
        %sign3A_853 = arith.subi %sign3A_849, %sign3A_852 : i32
        %ne3A_854 = arith.cmpi ne, %sign3A_846, %sign3A_853 : i32
        %rem3A_855 = arith.remsi %add3A_280, %jit3A_838 : i32
        %ne3A_856 = arith.constant 0 : i32
        %ne3A_857 = arith.cmpi ne, %rem3A_855, %ne3A_856 : i32
        %and3A_858 = arith.andi %ne3A_854, %ne3A_857 : i1
        %sub3A_859 = arith.constant 1 : i32
        %sub3A_860 = arith.subi %div3A_839, %sub3A_859 : i32
        %select_n3A_861 = arith.select %and3A_858, %sub3A_860, %div3A_839 : i32
        %add3A_862 = arith.constant 5 : i32
        %add3A_863 = arith.addi %select_n3A_861, %add3A_862 : i32
        %jit3A_864 = arith.constant 16 : i32
        %div3A_865 = arith.divsi %add3A_863, %jit3A_864 : i32
        %sign3A_866 = arith.constant 0 : i32
        %sign3A_867 = arith.cmpi sgt, %add3A_863, %sign3A_866 : i32
        %sign3A_868 = arith.extui %sign3A_867 : i1 to i32
        %sign3A_869 = arith.constant 0 : i32
        %sign3A_870 = arith.cmpi slt, %add3A_863, %sign3A_869 : i32
        %sign3A_871 = arith.extui %sign3A_870 : i1 to i32
        %sign3A_872 = arith.subi %sign3A_868, %sign3A_871 : i32
        %sign3A_873 = arith.constant 0 : i32
        %sign3A_874 = arith.cmpi sgt, %jit3A_864, %sign3A_873 : i32
        %sign3A_875 = arith.extui %sign3A_874 : i1 to i32
        %sign3A_876 = arith.constant 0 : i32
        %sign3A_877 = arith.cmpi slt, %jit3A_864, %sign3A_876 : i32
        %sign3A_878 = arith.extui %sign3A_877 : i1 to i32
        %sign3A_879 = arith.subi %sign3A_875, %sign3A_878 : i32
        %ne3A_880 = arith.cmpi ne, %sign3A_872, %sign3A_879 : i32
        %rem3A_881 = arith.remsi %add3A_863, %jit3A_864 : i32
        %ne3A_882 = arith.constant 0 : i32
        %ne3A_883 = arith.cmpi ne, %rem3A_881, %ne3A_882 : i32
        %and3A_884 = arith.andi %ne3A_880, %ne3A_883 : i1
        %sub3A_885 = arith.constant 1 : i32
        %sub3A_886 = arith.subi %div3A_865, %sub3A_885 : i32
        %select_n3A_887 = arith.select %and3A_884, %sub3A_886, %div3A_865 : i32
        %mul3A_888 = arith.constant 16 : i32
        %mul3A_889 = arith.muli %select_n3A_887, %mul3A_888 : i32
        %multiple_of3A_890 = tpu.assume_multiple %mul3A_889, 16 : i32
        %get3A_891 = arith.index_cast %multiple_of3A_890 : i32 to index
        %get3A_892 = tpu.vector_load %arg5[%get3A_891] {strides = array<i32>} : memref<64xi32, #tpu.memory_space<vmem>>, vector<16xi32>,
        %jit3A_893 = arith.constant 16 : i32
        %eq3A_894 = arith.constant 0 : i32
        %eq3A_895 = arith.cmpi eq, %jit3A_893, %eq3A_894 : i32
        %jit3A_896 = arith.constant 1 : i32
        %select_n3A_897 = arith.select %eq3A_895, %jit3A_896, %jit3A_893 : i32
        %rem3A_898 = arith.remsi %add3A_863, %select_n3A_897 : i32
        %ne3A_899 = arith.constant 0 : i32
        %ne3A_900 = arith.cmpi ne, %rem3A_898, %ne3A_899 : i32
        %lt3A_901 = arith.constant 0 : i32
        %lt3A_902 = arith.cmpi slt, %rem3A_898, %lt3A_901 : i32
        %lt3A_903 = arith.constant 0 : i32
        %lt3A_904 = arith.cmpi slt, %select_n3A_897, %lt3A_903 : i32
        %ne3A_905 = arith.xori %lt3A_902, %lt3A_904 : i1
        %and3A_906 = arith.andi %ne3A_905, %ne3A_900 : i1
        %add3A_907 = arith.addi %rem3A_898, %select_n3A_897 : i32
        %select_n3A_908 = arith.select %and3A_906, %add3A_907, %rem3A_898 : i32
        %eq3A_909 = vector.broadcast %select_n3A_908 : i32 to vector<16xi32>
        %eq3A_910 = arith.cmpi eq, %iota3A, %eq3A_909 : vector<16xi32>
        %jit3A_911 = arith.constant 0 : i32
        %broadcast_in_dim3A_912 = vector.broadcast %jit3A_911 : i32 to vector<16xi32>
        %select_n3A_913 = arith.select %eq3A_910, %get3A_892, %broadcast_in_dim3A_912 : vector<16xi1>, vector<16xi32>
        %reduce_max3A_914 = arith.constant true
        %reduce_max3A_915 = vector.broadcast %reduce_max3A_914 : i1 to vector<16xi1>
        %reduce_max3A_916 = arith.constant -2147483648 : i32
        %reduce_max3A_917 = vector.broadcast %reduce_max3A_916 : i32 to vector<16xi32>
        %reduce_max3A_918 = arith.xori %select_n3A_913, %reduce_max3A_917 : vector<16xi32>
        %reduce_max3A_919 = tpu.scan <max>, %reduce_max3A_918 masked %reduce_max3A_915 : vector<16xi32>, vector<16xi1> -> vector<16xi32>
        %reduce_max3A_920 = arith.xori %reduce_max3A_919, %reduce_max3A_917 : vector<16xi32>
        %reduce_max3A_921 = vector.extract %reduce_max3A_920[15] : i32 from vector<16xi32>
        %dma_start3A_922 = arith.constant 2 : i32
        %dma_start3A_923 = arith.constant 0 : i32
        %dma_start3A_924 = arith.constant 0 : i32
        %dma_start3A_925 = tpu.memref_slice %arg6[%dma_start3A_922, %dma_start3A_923, %dma_start3A_924] : memref<8x48x224xf32, #tpu.memory_space<vmem>> -> memref<1x48x224xf32, #tpu.memory_space<vmem>>
        %dma_start3A_926 = tpu.memref_squeeze %dma_start3A_925 : memref<1x48x224xf32, #tpu.memory_space<vmem>> -> memref<48x224xf32, #tpu.memory_space<vmem>>
        %dma_start3A_927 = arith.constant 0 : i32
        %dma_start3A_928 = arith.constant 0 : i32
        %dma_start3A_929 = tpu.memref_slice %arg2[%reduce_max3A_921, %dma_start3A_927, %dma_start3A_928] : memref<1792x96x224xf32, #tpu.memory_space<hbm>> -> memref<1x48x224xf32, #tpu.memory_space<hbm>>
        %dma_start3A_930 = tpu.memref_squeeze %dma_start3A_929 : memref<1x48x224xf32, #tpu.memory_space<hbm>> -> memref<48x224xf32, #tpu.memory_space<hbm>>
        %dma_start3A_931 = arith.constant 0 : i32
        %dma_start3A_932 = arith.constant 0 : i32
        %dma_start3A_933 = tpu.memref_slice %arg6[%dma_start3A_922, %dma_start3A_931, %dma_start3A_932] : memref<8x48x224xf32, #tpu.memory_space<vmem>> -> memref<1x48x224xf32, #tpu.memory_space<vmem>>
        %dma_start3A_934 = tpu.memref_squeeze %dma_start3A_933 : memref<1x48x224xf32, #tpu.memory_space<vmem>> -> memref<48x224xf32, #tpu.memory_space<vmem>>
        %dma_start3A_935 = arith.constant 0 : i32
        %dma_start3A_936 = arith.constant 0 : i32
        %dma_start3A_937 = tpu.memref_slice %arg2[%reduce_max3A_921, %dma_start3A_935, %dma_start3A_936] : memref<1792x96x224xf32, #tpu.memory_space<hbm>> -> memref<1x48x224xf32, #tpu.memory_space<hbm>>
        %dma_start3A_938 = tpu.memref_squeeze %dma_start3A_937 : memref<1x48x224xf32, #tpu.memory_space<hbm>> -> memref<48x224xf32, #tpu.memory_space<hbm>>
        tpu.enqueue_dma source(%dma_start3A_938 : memref<48x224xf32, #tpu.memory_space<hbm>>) target(%dma_start3A_934 : memref<48x224xf32, #tpu.memory_space<vmem>>) target_semaphore(%arg9 : memref<!tpu.dma_semaphore, #tpu.memory_space<semaphore_mem>>)
      } else {
      }
      %dma_wait3A_701 = arith.constant 6 : i32
      %dma_wait3A_702 = arith.constant 0 : i32
      %dma_wait3A_703 = arith.constant 0 : i32
      %dma_wait3A_704 = tpu.memref_slice %arg6[%dma_wait3A_701, %dma_wait3A_702, %dma_wait3A_703] : memref<8x48x224xf32, #tpu.memory_space<vmem>> -> memref<1x48x224xf32, #tpu.memory_space<vmem>>
      %dma_wait3A_705 = tpu.memref_squeeze %dma_wait3A_704 : memref<1x48x224xf32, #tpu.memory_space<vmem>> -> memref<48x224xf32, #tpu.memory_space<vmem>>
      %dma_wait3A_706 = arith.constant 0 : i32
      %dma_wait3A_707 = arith.constant 0 : i32
      %dma_wait3A_708 = tpu.memref_slice %arg2[%mul3A_2, %dma_wait3A_706, %dma_wait3A_707] : memref<1792x96x224xf32, #tpu.memory_space<hbm>> -> memref<1x48x224xf32, #tpu.memory_space<hbm>>
      %dma_wait3A_709 = tpu.memref_squeeze %dma_wait3A_708 : memref<1x48x224xf32, #tpu.memory_space<hbm>> -> memref<48x224xf32, #tpu.memory_space<hbm>>
      %dma_wait3A_710 = arith.constant 0 : i32
      %dma_wait3A_711 = arith.constant 0 : i32
      %dma_wait3A_712 = tpu.memref_slice %arg6[%dma_wait3A_701, %dma_wait3A_710, %dma_wait3A_711] : memref<8x48x224xf32, #tpu.memory_space<vmem>> -> memref<1x48x224xf32, #tpu.memory_space<vmem>>
      %dma_wait3A_713 = tpu.memref_squeeze %dma_wait3A_712 : memref<1x48x224xf32, #tpu.memory_space<vmem>> -> memref<48x224xf32, #tpu.memory_space<vmem>>
      %dma_wait3A_714 = arith.constant 0 : i32
      %dma_wait3A_715 = arith.constant 0 : i32
      %dma_wait3A_716 = tpu.memref_slice %arg2[%mul3A_2, %dma_wait3A_714, %dma_wait3A_715] : memref<1792x96x224xf32, #tpu.memory_space<hbm>> -> memref<1x48x224xf32, #tpu.memory_space<hbm>>
      %dma_wait3A_717 = tpu.memref_squeeze %dma_wait3A_716 : memref<1x48x224xf32, #tpu.memory_space<hbm>> -> memref<48x224xf32, #tpu.memory_space<hbm>>
      tpu.wait_dma2 semaphore(%arg13 : memref<!tpu.dma_semaphore, #tpu.memory_space<semaphore_mem>>) src(%dma_wait3A_717 : memref<48x224xf32, #tpu.memory_space<hbm>>) dst(%dma_wait3A_713 : memref<48x224xf32, #tpu.memory_space<vmem>>)
      %jit3A_718 = arith.constant 2 : i32
      %div3A_719 = arith.divsi %add3A_280, %jit3A_718 : i32
      %sign3A_720 = arith.constant 0 : i32
      %sign3A_721 = arith.cmpi sgt, %add3A_280, %sign3A_720 : i32
      %sign3A_722 = arith.extui %sign3A_721 : i1 to i32
      %sign3A_723 = arith.constant 0 : i32
      %sign3A_724 = arith.cmpi slt, %add3A_280, %sign3A_723 : i32
      %sign3A_725 = arith.extui %sign3A_724 : i1 to i32
      %sign3A_726 = arith.subi %sign3A_722, %sign3A_725 : i32
      %sign3A_727 = arith.constant 0 : i32
      %sign3A_728 = arith.cmpi sgt, %jit3A_718, %sign3A_727 : i32
      %sign3A_729 = arith.extui %sign3A_728 : i1 to i32
      %sign3A_730 = arith.constant 0 : i32
      %sign3A_731 = arith.cmpi slt, %jit3A_718, %sign3A_730 : i32
      %sign3A_732 = arith.extui %sign3A_731 : i1 to i32
      %sign3A_733 = arith.subi %sign3A_729, %sign3A_732 : i32
      %ne3A_734 = arith.cmpi ne, %sign3A_726, %sign3A_733 : i32
      %rem3A_735 = arith.remsi %add3A_280, %jit3A_718 : i32
      %ne3A_736 = arith.constant 0 : i32
      %ne3A_737 = arith.cmpi ne, %rem3A_735, %ne3A_736 : i32
      %and3A_738 = arith.andi %ne3A_734, %ne3A_737 : i1
      %sub3A_739 = arith.constant 1 : i32
      %sub3A_740 = arith.subi %div3A_719, %sub3A_739 : i32
      %select_n3A_741 = arith.select %and3A_738, %sub3A_740, %div3A_719 : i32
      %add3A_742 = arith.constant 3 : i32
      %add3A_743 = arith.addi %select_n3A_741, %add3A_742 : i32
      %add3A_744 = arith.addi %mul3A_2, %add3A_743 : i32
      %dma_start3A_745 = arith.constant 6 : i32
      %dma_start3A_746 = arith.constant 0 : i32
      %dma_start3A_747 = arith.constant 0 : i32
      %dma_start3A_748 = tpu.memref_slice %arg6[%dma_start3A_745, %dma_start3A_746, %dma_start3A_747] : memref<8x48x224xf32, #tpu.memory_space<vmem>> -> memref<1x48x224xf32, #tpu.memory_space<vmem>>
      %dma_start3A_749 = tpu.memref_squeeze %dma_start3A_748 : memref<1x48x224xf32, #tpu.memory_space<vmem>> -> memref<48x224xf32, #tpu.memory_space<vmem>>
      %dma_start3A_750 = arith.constant 0 : i32
      %dma_start3A_751 = arith.constant 0 : i32
      %dma_start3A_752 = tpu.memref_slice %arg4[%add3A_744, %dma_start3A_750, %dma_start3A_751] : memref<1792x96x224xf32, #tpu.memory_space<hbm>> -> memref<1x48x224xf32, #tpu.memory_space<hbm>>
      %dma_start3A_753 = tpu.memref_squeeze %dma_start3A_752 : memref<1x48x224xf32, #tpu.memory_space<hbm>> -> memref<48x224xf32, #tpu.memory_space<hbm>>
      %dma_start3A_754 = arith.constant 0 : i32
      %dma_start3A_755 = arith.constant 0 : i32
      %dma_start3A_756 = tpu.memref_slice %arg4[%add3A_744, %dma_start3A_754, %dma_start3A_755] : memref<1792x96x224xf32, #tpu.memory_space<hbm>> -> memref<1x48x224xf32, #tpu.memory_space<hbm>>
      %dma_start3A_757 = tpu.memref_squeeze %dma_start3A_756 : memref<1x48x224xf32, #tpu.memory_space<hbm>> -> memref<48x224xf32, #tpu.memory_space<hbm>>
      %dma_start3A_758 = arith.constant 0 : i32
      %dma_start3A_759 = arith.constant 0 : i32
      %dma_start3A_760 = tpu.memref_slice %arg6[%dma_start3A_745, %dma_start3A_758, %dma_start3A_759] : memref<8x48x224xf32, #tpu.memory_space<vmem>> -> memref<1x48x224xf32, #tpu.memory_space<vmem>>
      %dma_start3A_761 = tpu.memref_squeeze %dma_start3A_760 : memref<1x48x224xf32, #tpu.memory_space<vmem>> -> memref<48x224xf32, #tpu.memory_space<vmem>>
      tpu.enqueue_dma source(%dma_start3A_761 : memref<48x224xf32, #tpu.memory_space<vmem>>) target(%dma_start3A_757 : memref<48x224xf32, #tpu.memory_space<hbm>>) target_semaphore(%arg21 : memref<!tpu.dma_semaphore, #tpu.memory_space<semaphore_mem>>)
      %add3A_762 = arith.constant 7 : i32
      %add3A_763 = arith.addi %add3A_280, %add3A_762 : i32
      %add3A_764 = arith.constant 4 : i32
      %add3A_765 = arith.addi %add3A_763, %add3A_764 : i32
      %lt3A_766 = arith.constant 112 : i32
      %lt3A_767 = arith.cmpi slt, %add3A_765, %lt3A_766 : i32
      %convert_element_type3A_768 = arith.extui %lt3A_767 : i1 to i32
      %cond3A_769 = arith.constant 0 : i32
      %cond3A_770 = arith.cmpi ne, %convert_element_type3A_768, %cond3A_769 : i32
      scf.if %cond3A_770 {
        %add3A_832 = arith.constant 4 : i32
        %add3A_833 = arith.addi %add3A_763, %add3A_832 : i32
        %ge3A = arith.constant 8 : i32
        %ge3A_834 = arith.cmpi sge, %add3A_833, %ge3A : i32
        %convert_element_type3A_835 = arith.extui %ge3A_834 : i1 to i32
        %cond3A_836 = arith.constant 0 : i32
        %cond3A_837 = arith.cmpi ne, %convert_element_type3A_835, %cond3A_836 : i32
        scf.if %cond3A_837 {
          %dma_wait3A_939 = arith.constant 3 : i32
          %dma_wait3A_940 = arith.constant 0 : i32
          %dma_wait3A_941 = arith.constant 0 : i32
          %dma_wait3A_942 = tpu.memref_slice %arg6[%dma_wait3A_939, %dma_wait3A_940, %dma_wait3A_941] : memref<8x48x224xf32, #tpu.memory_space<vmem>> -> memref<1x48x224xf32, #tpu.memory_space<vmem>>
          %dma_wait3A_943 = tpu.memref_squeeze %dma_wait3A_942 : memref<1x48x224xf32, #tpu.memory_space<vmem>> -> memref<48x224xf32, #tpu.memory_space<vmem>>
          %dma_wait3A_944 = arith.constant 0 : i32
          %dma_wait3A_945 = arith.constant 0 : i32
          %dma_wait3A_946 = tpu.memref_slice %arg4[%mul3A_2, %dma_wait3A_944, %dma_wait3A_945] : memref<1792x96x224xf32, #tpu.memory_space<hbm>> -> memref<1x48x224xf32, #tpu.memory_space<hbm>>
          %dma_wait3A_947 = tpu.memref_squeeze %dma_wait3A_946 : memref<1x48x224xf32, #tpu.memory_space<hbm>> -> memref<48x224xf32, #tpu.memory_space<hbm>>
          %dma_wait3A_948 = arith.constant 0 : i32
          %dma_wait3A_949 = arith.constant 0 : i32
          %dma_wait3A_950 = tpu.memref_slice %arg4[%mul3A_2, %dma_wait3A_948, %dma_wait3A_949] : memref<1792x96x224xf32, #tpu.memory_space<hbm>> -> memref<1x48x224xf32, #tpu.memory_space<hbm>>
          %dma_wait3A_951 = tpu.memref_squeeze %dma_wait3A_950 : memref<1x48x224xf32, #tpu.memory_space<hbm>> -> memref<48x224xf32, #tpu.memory_space<hbm>>
          %dma_wait3A_952 = arith.constant 0 : i32
          %dma_wait3A_953 = arith.constant 0 : i32
          %dma_wait3A_954 = tpu.memref_slice %arg6[%dma_wait3A_939, %dma_wait3A_952, %dma_wait3A_953] : memref<8x48x224xf32, #tpu.memory_space<vmem>> -> memref<1x48x224xf32, #tpu.memory_space<vmem>>
          %dma_wait3A_955 = tpu.memref_squeeze %dma_wait3A_954 : memref<1x48x224xf32, #tpu.memory_space<vmem>> -> memref<48x224xf32, #tpu.memory_space<vmem>>
          tpu.wait_dma2 semaphore(%arg18 : memref<!tpu.dma_semaphore, #tpu.memory_space<semaphore_mem>>) src(%dma_wait3A_955 : memref<48x224xf32, #tpu.memory_space<vmem>>) dst(%dma_wait3A_951 : memref<48x224xf32, #tpu.memory_space<hbm>>)
        } else {
        }
        %jit3A_838 = arith.constant 2 : i32
        %div3A_839 = arith.divsi %add3A_280, %jit3A_838 : i32
        %sign3A_840 = arith.constant 0 : i32
        %sign3A_841 = arith.cmpi sgt, %add3A_280, %sign3A_840 : i32
        %sign3A_842 = arith.extui %sign3A_841 : i1 to i32
        %sign3A_843 = arith.constant 0 : i32
        %sign3A_844 = arith.cmpi slt, %add3A_280, %sign3A_843 : i32
        %sign3A_845 = arith.extui %sign3A_844 : i1 to i32
        %sign3A_846 = arith.subi %sign3A_842, %sign3A_845 : i32
        %sign3A_847 = arith.constant 0 : i32
        %sign3A_848 = arith.cmpi sgt, %jit3A_838, %sign3A_847 : i32
        %sign3A_849 = arith.extui %sign3A_848 : i1 to i32
        %sign3A_850 = arith.constant 0 : i32
        %sign3A_851 = arith.cmpi slt, %jit3A_838, %sign3A_850 : i32
        %sign3A_852 = arith.extui %sign3A_851 : i1 to i32
        %sign3A_853 = arith.subi %sign3A_849, %sign3A_852 : i32
        %ne3A_854 = arith.cmpi ne, %sign3A_846, %sign3A_853 : i32
        %rem3A_855 = arith.remsi %add3A_280, %jit3A_838 : i32
        %ne3A_856 = arith.constant 0 : i32
        %ne3A_857 = arith.cmpi ne, %rem3A_855, %ne3A_856 : i32
        %and3A_858 = arith.andi %ne3A_854, %ne3A_857 : i1
        %sub3A_859 = arith.constant 1 : i32
        %sub3A_860 = arith.subi %div3A_839, %sub3A_859 : i32
        %select_n3A_861 = arith.select %and3A_858, %sub3A_860, %div3A_839 : i32
        %add3A_862 = arith.constant 5 : i32
        %add3A_863 = arith.addi %select_n3A_861, %add3A_862 : i32
        %jit3A_864 = arith.constant 16 : i32
        %div3A_865 = arith.divsi %add3A_863, %jit3A_864 : i32
        %sign3A_866 = arith.constant 0 : i32
        %sign3A_867 = arith.cmpi sgt, %add3A_863, %sign3A_866 : i32
        %sign3A_868 = arith.extui %sign3A_867 : i1 to i32
        %sign3A_869 = arith.constant 0 : i32
        %sign3A_870 = arith.cmpi slt, %add3A_863, %sign3A_869 : i32
        %sign3A_871 = arith.extui %sign3A_870 : i1 to i32
        %sign3A_872 = arith.subi %sign3A_868, %sign3A_871 : i32
        %sign3A_873 = arith.constant 0 : i32
        %sign3A_874 = arith.cmpi sgt, %jit3A_864, %sign3A_873 : i32
        %sign3A_875 = arith.extui %sign3A_874 : i1 to i32
        %sign3A_876 = arith.constant 0 : i32
        %sign3A_877 = arith.cmpi slt, %jit3A_864, %sign3A_876 : i32
        %sign3A_878 = arith.extui %sign3A_877 : i1 to i32
        %sign3A_879 = arith.subi %sign3A_875, %sign3A_878 : i32
        %ne3A_880 = arith.cmpi ne, %sign3A_872, %sign3A_879 : i32
        %rem3A_881 = arith.remsi %add3A_863, %jit3A_864 : i32
        %ne3A_882 = arith.constant 0 : i32
        %ne3A_883 = arith.cmpi ne, %rem3A_881, %ne3A_882 : i32
        %and3A_884 = arith.andi %ne3A_880, %ne3A_883 : i1
        %sub3A_885 = arith.constant 1 : i32
        %sub3A_886 = arith.subi %div3A_865, %sub3A_885 : i32
        %select_n3A_887 = arith.select %and3A_884, %sub3A_886, %div3A_865 : i32
        %mul3A_888 = arith.constant 16 : i32
        %mul3A_889 = arith.muli %select_n3A_887, %mul3A_888 : i32
        %multiple_of3A_890 = tpu.assume_multiple %mul3A_889, 16 : i32
        %get3A_891 = arith.index_cast %multiple_of3A_890 : i32 to index
        %get3A_892 = tpu.vector_load %arg5[%get3A_891] {strides = array<i32>} : memref<64xi32, #tpu.memory_space<vmem>>, vector<16xi32>,
        %jit3A_893 = arith.constant 16 : i32
        %eq3A_894 = arith.constant 0 : i32
        %eq3A_895 = arith.cmpi eq, %jit3A_893, %eq3A_894 : i32
        %jit3A_896 = arith.constant 1 : i32
        %select_n3A_897 = arith.select %eq3A_895, %jit3A_896, %jit3A_893 : i32
        %rem3A_898 = arith.remsi %add3A_863, %select_n3A_897 : i32
        %ne3A_899 = arith.constant 0 : i32
        %ne3A_900 = arith.cmpi ne, %rem3A_898, %ne3A_899 : i32
        %lt3A_901 = arith.constant 0 : i32
        %lt3A_902 = arith.cmpi slt, %rem3A_898, %lt3A_901 : i32
        %lt3A_903 = arith.constant 0 : i32
        %lt3A_904 = arith.cmpi slt, %select_n3A_897, %lt3A_903 : i32
        %ne3A_905 = arith.xori %lt3A_902, %lt3A_904 : i1
        %and3A_906 = arith.andi %ne3A_905, %ne3A_900 : i1
        %add3A_907 = arith.addi %rem3A_898, %select_n3A_897 : i32
        %select_n3A_908 = arith.select %and3A_906, %add3A_907, %rem3A_898 : i32
        %eq3A_909 = vector.broadcast %select_n3A_908 : i32 to vector<16xi32>
        %eq3A_910 = arith.cmpi eq, %iota3A, %eq3A_909 : vector<16xi32>
        %jit3A_911 = arith.constant 0 : i32
        %broadcast_in_dim3A_912 = vector.broadcast %jit3A_911 : i32 to vector<16xi32>
        %select_n3A_913 = arith.select %eq3A_910, %get3A_892, %broadcast_in_dim3A_912 : vector<16xi1>, vector<16xi32>
        %reduce_max3A_914 = arith.constant true
        %reduce_max3A_915 = vector.broadcast %reduce_max3A_914 : i1 to vector<16xi1>
        %reduce_max3A_916 = arith.constant -2147483648 : i32
        %reduce_max3A_917 = vector.broadcast %reduce_max3A_916 : i32 to vector<16xi32>
        %reduce_max3A_918 = arith.xori %select_n3A_913, %reduce_max3A_917 : vector<16xi32>
        %reduce_max3A_919 = tpu.scan <max>, %reduce_max3A_918 masked %reduce_max3A_915 : vector<16xi32>, vector<16xi1> -> vector<16xi32>
        %reduce_max3A_920 = arith.xori %reduce_max3A_919, %reduce_max3A_917 : vector<16xi32>
        %reduce_max3A_921 = vector.extract %reduce_max3A_920[15] : i32 from vector<16xi32>
        %dma_start3A_922 = arith.constant 3 : i32
        %dma_start3A_923 = arith.constant 0 : i32
        %dma_start3A_924 = arith.constant 0 : i32
        %dma_start3A_925 = tpu.memref_slice %arg6[%dma_start3A_922, %dma_start3A_923, %dma_start3A_924] : memref<8x48x224xf32, #tpu.memory_space<vmem>> -> memref<1x48x224xf32, #tpu.memory_space<vmem>>
        %dma_start3A_926 = tpu.memref_squeeze %dma_start3A_925 : memref<1x48x224xf32, #tpu.memory_space<vmem>> -> memref<48x224xf32, #tpu.memory_space<vmem>>
        %dma_start3A_927 = arith.constant 48 : i32
        %dma_start3A_928 = arith.constant 0 : i32
        %dma_start3A_929 = tpu.memref_slice %arg2[%reduce_max3A_921, %dma_start3A_927, %dma_start3A_928] : memref<1792x96x224xf32, #tpu.memory_space<hbm>> -> memref<1x48x224xf32, #tpu.memory_space<hbm>>
        %dma_start3A_930 = tpu.memref_squeeze %dma_start3A_929 : memref<1x48x224xf32, #tpu.memory_space<hbm>> -> memref<48x224xf32, #tpu.memory_space<hbm>>
        %dma_start3A_931 = arith.constant 0 : i32
        %dma_start3A_932 = arith.constant 0 : i32
        %dma_start3A_933 = tpu.memref_slice %arg6[%dma_start3A_922, %dma_start3A_931, %dma_start3A_932] : memref<8x48x224xf32, #tpu.memory_space<vmem>> -> memref<1x48x224xf32, #tpu.memory_space<vmem>>
        %dma_start3A_934 = tpu.memref_squeeze %dma_start3A_933 : memref<1x48x224xf32, #tpu.memory_space<vmem>> -> memref<48x224xf32, #tpu.memory_space<vmem>>
        %dma_start3A_935 = arith.constant 48 : i32
        %dma_start3A_936 = arith.constant 0 : i32
        %dma_start3A_937 = tpu.memref_slice %arg2[%reduce_max3A_921, %dma_start3A_935, %dma_start3A_936] : memref<1792x96x224xf32, #tpu.memory_space<hbm>> -> memref<1x48x224xf32, #tpu.memory_space<hbm>>
        %dma_start3A_938 = tpu.memref_squeeze %dma_start3A_937 : memref<1x48x224xf32, #tpu.memory_space<hbm>> -> memref<48x224xf32, #tpu.memory_space<hbm>>
        tpu.enqueue_dma source(%dma_start3A_938 : memref<48x224xf32, #tpu.memory_space<hbm>>) target(%dma_start3A_934 : memref<48x224xf32, #tpu.memory_space<vmem>>) target_semaphore(%arg10 : memref<!tpu.dma_semaphore, #tpu.memory_space<semaphore_mem>>)
      } else {
      }
      %dma_wait3A_771 = arith.constant 7 : i32
      %dma_wait3A_772 = arith.constant 0 : i32
      %dma_wait3A_773 = arith.constant 0 : i32
      %dma_wait3A_774 = tpu.memref_slice %arg6[%dma_wait3A_771, %dma_wait3A_772, %dma_wait3A_773] : memref<8x48x224xf32, #tpu.memory_space<vmem>> -> memref<1x48x224xf32, #tpu.memory_space<vmem>>
      %dma_wait3A_775 = tpu.memref_squeeze %dma_wait3A_774 : memref<1x48x224xf32, #tpu.memory_space<vmem>> -> memref<48x224xf32, #tpu.memory_space<vmem>>
      %dma_wait3A_776 = arith.constant 0 : i32
      %dma_wait3A_777 = arith.constant 0 : i32
      %dma_wait3A_778 = tpu.memref_slice %arg2[%mul3A_2, %dma_wait3A_776, %dma_wait3A_777] : memref<1792x96x224xf32, #tpu.memory_space<hbm>> -> memref<1x48x224xf32, #tpu.memory_space<hbm>>
      %dma_wait3A_779 = tpu.memref_squeeze %dma_wait3A_778 : memref<1x48x224xf32, #tpu.memory_space<hbm>> -> memref<48x224xf32, #tpu.memory_space<hbm>>
      %dma_wait3A_780 = arith.constant 0 : i32
      %dma_wait3A_781 = arith.constant 0 : i32
      %dma_wait3A_782 = tpu.memref_slice %arg6[%dma_wait3A_771, %dma_wait3A_780, %dma_wait3A_781] : memref<8x48x224xf32, #tpu.memory_space<vmem>> -> memref<1x48x224xf32, #tpu.memory_space<vmem>>
      %dma_wait3A_783 = tpu.memref_squeeze %dma_wait3A_782 : memref<1x48x224xf32, #tpu.memory_space<vmem>> -> memref<48x224xf32, #tpu.memory_space<vmem>>
      %dma_wait3A_784 = arith.constant 0 : i32
      %dma_wait3A_785 = arith.constant 0 : i32
      %dma_wait3A_786 = tpu.memref_slice %arg2[%mul3A_2, %dma_wait3A_784, %dma_wait3A_785] : memref<1792x96x224xf32, #tpu.memory_space<hbm>> -> memref<1x48x224xf32, #tpu.memory_space<hbm>>
      %dma_wait3A_787 = tpu.memref_squeeze %dma_wait3A_786 : memref<1x48x224xf32, #tpu.memory_space<hbm>> -> memref<48x224xf32, #tpu.memory_space<hbm>>
      tpu.wait_dma2 semaphore(%arg14 : memref<!tpu.dma_semaphore, #tpu.memory_space<semaphore_mem>>) src(%dma_wait3A_787 : memref<48x224xf32, #tpu.memory_space<hbm>>) dst(%dma_wait3A_783 : memref<48x224xf32, #tpu.memory_space<vmem>>)
      %jit3A_788 = arith.constant 2 : i32
      %div3A_789 = arith.divsi %add3A_280, %jit3A_788 : i32
      %sign3A_790 = arith.constant 0 : i32
      %sign3A_791 = arith.cmpi sgt, %add3A_280, %sign3A_790 : i32
      %sign3A_792 = arith.extui %sign3A_791 : i1 to i32
      %sign3A_793 = arith.constant 0 : i32
      %sign3A_794 = arith.cmpi slt, %add3A_280, %sign3A_793 : i32
      %sign3A_795 = arith.extui %sign3A_794 : i1 to i32
      %sign3A_796 = arith.subi %sign3A_792, %sign3A_795 : i32
      %sign3A_797 = arith.constant 0 : i32
      %sign3A_798 = arith.cmpi sgt, %jit3A_788, %sign3A_797 : i32
      %sign3A_799 = arith.extui %sign3A_798 : i1 to i32
      %sign3A_800 = arith.constant 0 : i32
      %sign3A_801 = arith.cmpi slt, %jit3A_788, %sign3A_800 : i32
      %sign3A_802 = arith.extui %sign3A_801 : i1 to i32
      %sign3A_803 = arith.subi %sign3A_799, %sign3A_802 : i32
      %ne3A_804 = arith.cmpi ne, %sign3A_796, %sign3A_803 : i32
      %rem3A_805 = arith.remsi %add3A_280, %jit3A_788 : i32
      %ne3A_806 = arith.constant 0 : i32
      %ne3A_807 = arith.cmpi ne, %rem3A_805, %ne3A_806 : i32
      %and3A_808 = arith.andi %ne3A_804, %ne3A_807 : i1
      %sub3A_809 = arith.constant 1 : i32
      %sub3A_810 = arith.subi %div3A_789, %sub3A_809 : i32
      %select_n3A_811 = arith.select %and3A_808, %sub3A_810, %div3A_789 : i32
      %add3A_812 = arith.constant 3 : i32
      %add3A_813 = arith.addi %select_n3A_811, %add3A_812 : i32
      %add3A_814 = arith.addi %mul3A_2, %add3A_813 : i32
      %dma_start3A_815 = arith.constant 7 : i32
      %dma_start3A_816 = arith.constant 0 : i32
      %dma_start3A_817 = arith.constant 0 : i32
      %dma_start3A_818 = tpu.memref_slice %arg6[%dma_start3A_815, %dma_start3A_816, %dma_start3A_817] : memref<8x48x224xf32, #tpu.memory_space<vmem>> -> memref<1x48x224xf32, #tpu.memory_space<vmem>>
      %dma_start3A_819 = tpu.memref_squeeze %dma_start3A_818 : memref<1x48x224xf32, #tpu.memory_space<vmem>> -> memref<48x224xf32, #tpu.memory_space<vmem>>
      %dma_start3A_820 = arith.constant 48 : i32
      %dma_start3A_821 = arith.constant 0 : i32
      %dma_start3A_822 = tpu.memref_slice %arg4[%add3A_814, %dma_start3A_820, %dma_start3A_821] : memref<1792x96x224xf32, #tpu.memory_space<hbm>> -> memref<1x48x224xf32, #tpu.memory_space<hbm>>
      %dma_start3A_823 = tpu.memref_squeeze %dma_start3A_822 : memref<1x48x224xf32, #tpu.memory_space<hbm>> -> memref<48x224xf32, #tpu.memory_space<hbm>>
      %dma_start3A_824 = arith.constant 48 : i32
      %dma_start3A_825 = arith.constant 0 : i32
      %dma_start3A_826 = tpu.memref_slice %arg4[%add3A_814, %dma_start3A_824, %dma_start3A_825] : memref<1792x96x224xf32, #tpu.memory_space<hbm>> -> memref<1x48x224xf32, #tpu.memory_space<hbm>>
      %dma_start3A_827 = tpu.memref_squeeze %dma_start3A_826 : memref<1x48x224xf32, #tpu.memory_space<hbm>> -> memref<48x224xf32, #tpu.memory_space<hbm>>
      %dma_start3A_828 = arith.constant 0 : i32
      %dma_start3A_829 = arith.constant 0 : i32
      %dma_start3A_830 = tpu.memref_slice %arg6[%dma_start3A_815, %dma_start3A_828, %dma_start3A_829] : memref<8x48x224xf32, #tpu.memory_space<vmem>> -> memref<1x48x224xf32, #tpu.memory_space<vmem>>
      %dma_start3A_831 = tpu.memref_squeeze %dma_start3A_830 : memref<1x48x224xf32, #tpu.memory_space<vmem>> -> memref<48x224xf32, #tpu.memory_space<vmem>>
      tpu.enqueue_dma source(%dma_start3A_831 : memref<48x224xf32, #tpu.memory_space<vmem>>) target(%dma_start3A_827 : memref<48x224xf32, #tpu.memory_space<hbm>>) target_semaphore(%arg22 : memref<!tpu.dma_semaphore, #tpu.memory_space<semaphore_mem>>)
    }
    %scan3A_140 = arith.constant 14 : i32
    %dma_wait3A = arith.constant 0 : i32
    %dma_wait3A_141 = arith.constant 0 : i32
    %dma_wait3A_142 = arith.constant 0 : i32
    %dma_wait3A_143 = tpu.memref_slice %arg6[%dma_wait3A, %dma_wait3A_141, %dma_wait3A_142] : memref<8x48x224xf32, #tpu.memory_space<vmem>> -> memref<1x48x224xf32, #tpu.memory_space<vmem>>
    %dma_wait3A_144 = tpu.memref_squeeze %dma_wait3A_143 : memref<1x48x224xf32, #tpu.memory_space<vmem>> -> memref<48x224xf32, #tpu.memory_space<vmem>>
    %dma_wait3A_145 = arith.constant 0 : i32
    %dma_wait3A_146 = arith.constant 0 : i32
    %dma_wait3A_147 = tpu.memref_slice %arg4[%mul3A_2, %dma_wait3A_145, %dma_wait3A_146] : memref<1792x96x224xf32, #tpu.memory_space<hbm>> -> memref<1x48x224xf32, #tpu.memory_space<hbm>>
    %dma_wait3A_148 = tpu.memref_squeeze %dma_wait3A_147 : memref<1x48x224xf32, #tpu.memory_space<hbm>> -> memref<48x224xf32, #tpu.memory_space<hbm>>
    %dma_wait3A_149 = arith.constant 0 : i32
    %dma_wait3A_150 = arith.constant 0 : i32
    %dma_wait3A_151 = tpu.memref_slice %arg4[%mul3A_2, %dma_wait3A_149, %dma_wait3A_150] : memref<1792x96x224xf32, #tpu.memory_space<hbm>> -> memref<1x48x224xf32, #tpu.memory_space<hbm>>
    %dma_wait3A_152 = tpu.memref_squeeze %dma_wait3A_151 : memref<1x48x224xf32, #tpu.memory_space<hbm>> -> memref<48x224xf32, #tpu.memory_space<hbm>>
    %dma_wait3A_153 = arith.constant 0 : i32
    %dma_wait3A_154 = arith.constant 0 : i32
    %dma_wait3A_155 = tpu.memref_slice %arg6[%dma_wait3A, %dma_wait3A_153, %dma_wait3A_154] : memref<8x48x224xf32, #tpu.memory_space<vmem>> -> memref<1x48x224xf32, #tpu.memory_space<vmem>>
    %dma_wait3A_156 = tpu.memref_squeeze %dma_wait3A_155 : memref<1x48x224xf32, #tpu.memory_space<vmem>> -> memref<48x224xf32, #tpu.memory_space<vmem>>
    tpu.wait_dma2 semaphore(%arg15 : memref<!tpu.dma_semaphore, #tpu.memory_space<semaphore_mem>>) src(%dma_wait3A_156 : memref<48x224xf32, #tpu.memory_space<vmem>>) dst(%dma_wait3A_152 : memref<48x224xf32, #tpu.memory_space<hbm>>)
    %dma_wait3A_157 = arith.constant 1 : i32
    %dma_wait3A_158 = arith.constant 0 : i32
    %dma_wait3A_159 = arith.constant 0 : i32
    %dma_wait3A_160 = tpu.memref_slice %arg6[%dma_wait3A_157, %dma_wait3A_158, %dma_wait3A_159] : memref<8x48x224xf32, #tpu.memory_space<vmem>> -> memref<1x48x224xf32, #tpu.memory_space<vmem>>
    %dma_wait3A_161 = tpu.memref_squeeze %dma_wait3A_160 : memref<1x48x224xf32, #tpu.memory_space<vmem>> -> memref<48x224xf32, #tpu.memory_space<vmem>>
    %dma_wait3A_162 = arith.constant 0 : i32
    %dma_wait3A_163 = arith.constant 0 : i32
    %dma_wait3A_164 = tpu.memref_slice %arg4[%mul3A_2, %dma_wait3A_162, %dma_wait3A_163] : memref<1792x96x224xf32, #tpu.memory_space<hbm>> -> memref<1x48x224xf32, #tpu.memory_space<hbm>>
    %dma_wait3A_165 = tpu.memref_squeeze %dma_wait3A_164 : memref<1x48x224xf32, #tpu.memory_space<hbm>> -> memref<48x224xf32, #tpu.memory_space<hbm>>
    %dma_wait3A_166 = arith.constant 0 : i32
    %dma_wait3A_167 = arith.constant 0 : i32
    %dma_wait3A_168 = tpu.memref_slice %arg4[%mul3A_2, %dma_wait3A_166, %dma_wait3A_167] : memref<1792x96x224xf32, #tpu.memory_space<hbm>> -> memref<1x48x224xf32, #tpu.memory_space<hbm>>
    %dma_wait3A_169 = tpu.memref_squeeze %dma_wait3A_168 : memref<1x48x224xf32, #tpu.memory_space<hbm>> -> memref<48x224xf32, #tpu.memory_space<hbm>>
    %dma_wait3A_170 = arith.constant 0 : i32
    %dma_wait3A_171 = arith.constant 0 : i32
    %dma_wait3A_172 = tpu.memref_slice %arg6[%dma_wait3A_157, %dma_wait3A_170, %dma_wait3A_171] : memref<8x48x224xf32, #tpu.memory_space<vmem>> -> memref<1x48x224xf32, #tpu.memory_space<vmem>>
    %dma_wait3A_173 = tpu.memref_squeeze %dma_wait3A_172 : memref<1x48x224xf32, #tpu.memory_space<vmem>> -> memref<48x224xf32, #tpu.memory_space<vmem>>
    tpu.wait_dma2 semaphore(%arg16 : memref<!tpu.dma_semaphore, #tpu.memory_space<semaphore_mem>>) src(%dma_wait3A_173 : memref<48x224xf32, #tpu.memory_space<vmem>>) dst(%dma_wait3A_169 : memref<48x224xf32, #tpu.memory_space<hbm>>)
    %dma_wait3A_174 = arith.constant 2 : i32
    %dma_wait3A_175 = arith.constant 0 : i32
    %dma_wait3A_176 = arith.constant 0 : i32
    %dma_wait3A_177 = tpu.memref_slice %arg6[%dma_wait3A_174, %dma_wait3A_175, %dma_wait3A_176] : memref<8x48x224xf32, #tpu.memory_space<vmem>> -> memref<1x48x224xf32, #tpu.memory_space<vmem>>
    %dma_wait3A_178 = tpu.memref_squeeze %dma_wait3A_177 : memref<1x48x224xf32, #tpu.memory_space<vmem>> -> memref<48x224xf32, #tpu.memory_space<vmem>>
    %dma_wait3A_179 = arith.constant 0 : i32
    %dma_wait3A_180 = arith.constant 0 : i32
    %dma_wait3A_181 = tpu.memref_slice %arg4[%mul3A_2, %dma_wait3A_179, %dma_wait3A_180] : memref<1792x96x224xf32, #tpu.memory_space<hbm>> -> memref<1x48x224xf32, #tpu.memory_space<hbm>>
    %dma_wait3A_182 = tpu.memref_squeeze %dma_wait3A_181 : memref<1x48x224xf32, #tpu.memory_space<hbm>> -> memref<48x224xf32, #tpu.memory_space<hbm>>
    %dma_wait3A_183 = arith.constant 0 : i32
    %dma_wait3A_184 = arith.constant 0 : i32
    %dma_wait3A_185 = tpu.memref_slice %arg4[%mul3A_2, %dma_wait3A_183, %dma_wait3A_184] : memref<1792x96x224xf32, #tpu.memory_space<hbm>> -> memref<1x48x224xf32, #tpu.memory_space<hbm>>
    %dma_wait3A_186 = tpu.memref_squeeze %dma_wait3A_185 : memref<1x48x224xf32, #tpu.memory_space<hbm>> -> memref<48x224xf32, #tpu.memory_space<hbm>>
    %dma_wait3A_187 = arith.constant 0 : i32
    %dma_wait3A_188 = arith.constant 0 : i32
    %dma_wait3A_189 = tpu.memref_slice %arg6[%dma_wait3A_174, %dma_wait3A_187, %dma_wait3A_188] : memref<8x48x224xf32, #tpu.memory_space<vmem>> -> memref<1x48x224xf32, #tpu.memory_space<vmem>>
    %dma_wait3A_190 = tpu.memref_squeeze %dma_wait3A_189 : memref<1x48x224xf32, #tpu.memory_space<vmem>> -> memref<48x224xf32, #tpu.memory_space<vmem>>
    tpu.wait_dma2 semaphore(%arg17 : memref<!tpu.dma_semaphore, #tpu.memory_space<semaphore_mem>>) src(%dma_wait3A_190 : memref<48x224xf32, #tpu.memory_space<vmem>>) dst(%dma_wait3A_186 : memref<48x224xf32, #tpu.memory_space<hbm>>)
    %dma_wait3A_191 = arith.constant 3 : i32
    %dma_wait3A_192 = arith.constant 0 : i32
    %dma_wait3A_193 = arith.constant 0 : i32
    %dma_wait3A_194 = tpu.memref_slice %arg6[%dma_wait3A_191, %dma_wait3A_192, %dma_wait3A_193] : memref<8x48x224xf32, #tpu.memory_space<vmem>> -> memref<1x48x224xf32, #tpu.memory_space<vmem>>
    %dma_wait3A_195 = tpu.memref_squeeze %dma_wait3A_194 : memref<1x48x224xf32, #tpu.memory_space<vmem>> -> memref<48x224xf32, #tpu.memory_space<vmem>>
    %dma_wait3A_196 = arith.constant 0 : i32
    %dma_wait3A_197 = arith.constant 0 : i32
    %dma_wait3A_198 = tpu.memref_slice %arg4[%mul3A_2, %dma_wait3A_196, %dma_wait3A_197] : memref<1792x96x224xf32, #tpu.memory_space<hbm>> -> memref<1x48x224xf32, #tpu.memory_space<hbm>>
    %dma_wait3A_199 = tpu.memref_squeeze %dma_wait3A_198 : memref<1x48x224xf32, #tpu.memory_space<hbm>> -> memref<48x224xf32, #tpu.memory_space<hbm>>
    %dma_wait3A_200 = arith.constant 0 : i32
    %dma_wait3A_201 = arith.constant 0 : i32
    %dma_wait3A_202 = tpu.memref_slice %arg4[%mul3A_2, %dma_wait3A_200, %dma_wait3A_201] : memref<1792x96x224xf32, #tpu.memory_space<hbm>> -> memref<1x48x224xf32, #tpu.memory_space<hbm>>
    %dma_wait3A_203 = tpu.memref_squeeze %dma_wait3A_202 : memref<1x48x224xf32, #tpu.memory_space<hbm>> -> memref<48x224xf32, #tpu.memory_space<hbm>>
    %dma_wait3A_204 = arith.constant 0 : i32
    %dma_wait3A_205 = arith.constant 0 : i32
    %dma_wait3A_206 = tpu.memref_slice %arg6[%dma_wait3A_191, %dma_wait3A_204, %dma_wait3A_205] : memref<8x48x224xf32, #tpu.memory_space<vmem>> -> memref<1x48x224xf32, #tpu.memory_space<vmem>>
    %dma_wait3A_207 = tpu.memref_squeeze %dma_wait3A_206 : memref<1x48x224xf32, #tpu.memory_space<vmem>> -> memref<48x224xf32, #tpu.memory_space<vmem>>
    tpu.wait_dma2 semaphore(%arg18 : memref<!tpu.dma_semaphore, #tpu.memory_space<semaphore_mem>>) src(%dma_wait3A_207 : memref<48x224xf32, #tpu.memory_space<vmem>>) dst(%dma_wait3A_203 : memref<48x224xf32, #tpu.memory_space<hbm>>)
    %dma_wait3A_208 = arith.constant 4 : i32
    %dma_wait3A_209 = arith.constant 0 : i32
    %dma_wait3A_210 = arith.constant 0 : i32
    %dma_wait3A_211 = tpu.memref_slice %arg6[%dma_wait3A_208, %dma_wait3A_209, %dma_wait3A_210] : memref<8x48x224xf32, #tpu.memory_space<vmem>> -> memref<1x48x224xf32, #tpu.memory_space<vmem>>
    %dma_wait3A_212 = tpu.memref_squeeze %dma_wait3A_211 : memref<1x48x224xf32, #tpu.memory_space<vmem>> -> memref<48x224xf32, #tpu.memory_space<vmem>>
    %dma_wait3A_213 = arith.constant 0 : i32
    %dma_wait3A_214 = arith.constant 0 : i32
    %dma_wait3A_215 = tpu.memref_slice %arg4[%mul3A_2, %dma_wait3A_213, %dma_wait3A_214] : memref<1792x96x224xf32, #tpu.memory_space<hbm>> -> memref<1x48x224xf32, #tpu.memory_space<hbm>>
    %dma_wait3A_216 = tpu.memref_squeeze %dma_wait3A_215 : memref<1x48x224xf32, #tpu.memory_space<hbm>> -> memref<48x224xf32, #tpu.memory_space<hbm>>
    %dma_wait3A_217 = arith.constant 0 : i32
    %dma_wait3A_218 = arith.constant 0 : i32
    %dma_wait3A_219 = tpu.memref_slice %arg4[%mul3A_2, %dma_wait3A_217, %dma_wait3A_218] : memref<1792x96x224xf32, #tpu.memory_space<hbm>> -> memref<1x48x224xf32, #tpu.memory_space<hbm>>
    %dma_wait3A_220 = tpu.memref_squeeze %dma_wait3A_219 : memref<1x48x224xf32, #tpu.memory_space<hbm>> -> memref<48x224xf32, #tpu.memory_space<hbm>>
    %dma_wait3A_221 = arith.constant 0 : i32
    %dma_wait3A_222 = arith.constant 0 : i32
    %dma_wait3A_223 = tpu.memref_slice %arg6[%dma_wait3A_208, %dma_wait3A_221, %dma_wait3A_222] : memref<8x48x224xf32, #tpu.memory_space<vmem>> -> memref<1x48x224xf32, #tpu.memory_space<vmem>>
    %dma_wait3A_224 = tpu.memref_squeeze %dma_wait3A_223 : memref<1x48x224xf32, #tpu.memory_space<vmem>> -> memref<48x224xf32, #tpu.memory_space<vmem>>
    tpu.wait_dma2 semaphore(%arg19 : memref<!tpu.dma_semaphore, #tpu.memory_space<semaphore_mem>>) src(%dma_wait3A_224 : memref<48x224xf32, #tpu.memory_space<vmem>>) dst(%dma_wait3A_220 : memref<48x224xf32, #tpu.memory_space<hbm>>)
    %dma_wait3A_225 = arith.constant 5 : i32
    %dma_wait3A_226 = arith.constant 0 : i32
    %dma_wait3A_227 = arith.constant 0 : i32
    %dma_wait3A_228 = tpu.memref_slice %arg6[%dma_wait3A_225, %dma_wait3A_226, %dma_wait3A_227] : memref<8x48x224xf32, #tpu.memory_space<vmem>> -> memref<1x48x224xf32, #tpu.memory_space<vmem>>
    %dma_wait3A_229 = tpu.memref_squeeze %dma_wait3A_228 : memref<1x48x224xf32, #tpu.memory_space<vmem>> -> memref<48x224xf32, #tpu.memory_space<vmem>>
    %dma_wait3A_230 = arith.constant 0 : i32
    %dma_wait3A_231 = arith.constant 0 : i32
    %dma_wait3A_232 = tpu.memref_slice %arg4[%mul3A_2, %dma_wait3A_230, %dma_wait3A_231] : memref<1792x96x224xf32, #tpu.memory_space<hbm>> -> memref<1x48x224xf32, #tpu.memory_space<hbm>>
    %dma_wait3A_233 = tpu.memref_squeeze %dma_wait3A_232 : memref<1x48x224xf32, #tpu.memory_space<hbm>> -> memref<48x224xf32, #tpu.memory_space<hbm>>
    %dma_wait3A_234 = arith.constant 0 : i32
    %dma_wait3A_235 = arith.constant 0 : i32
    %dma_wait3A_236 = tpu.memref_slice %arg4[%mul3A_2, %dma_wait3A_234, %dma_wait3A_235] : memref<1792x96x224xf32, #tpu.memory_space<hbm>> -> memref<1x48x224xf32, #tpu.memory_space<hbm>>
    %dma_wait3A_237 = tpu.memref_squeeze %dma_wait3A_236 : memref<1x48x224xf32, #tpu.memory_space<hbm>> -> memref<48x224xf32, #tpu.memory_space<hbm>>
    %dma_wait3A_238 = arith.constant 0 : i32
    %dma_wait3A_239 = arith.constant 0 : i32
    %dma_wait3A_240 = tpu.memref_slice %arg6[%dma_wait3A_225, %dma_wait3A_238, %dma_wait3A_239] : memref<8x48x224xf32, #tpu.memory_space<vmem>> -> memref<1x48x224xf32, #tpu.memory_space<vmem>>
    %dma_wait3A_241 = tpu.memref_squeeze %dma_wait3A_240 : memref<1x48x224xf32, #tpu.memory_space<vmem>> -> memref<48x224xf32, #tpu.memory_space<vmem>>
    tpu.wait_dma2 semaphore(%arg20 : memref<!tpu.dma_semaphore, #tpu.memory_space<semaphore_mem>>) src(%dma_wait3A_241 : memref<48x224xf32, #tpu.memory_space<vmem>>) dst(%dma_wait3A_237 : memref<48x224xf32, #tpu.memory_space<hbm>>)
    %dma_wait3A_242 = arith.constant 6 : i32
    %dma_wait3A_243 = arith.constant 0 : i32
    %dma_wait3A_244 = arith.constant 0 : i32
    %dma_wait3A_245 = tpu.memref_slice %arg6[%dma_wait3A_242, %dma_wait3A_243, %dma_wait3A_244] : memref<8x48x224xf32, #tpu.memory_space<vmem>> -> memref<1x48x224xf32, #tpu.memory_space<vmem>>
    %dma_wait3A_246 = tpu.memref_squeeze %dma_wait3A_245 : memref<1x48x224xf32, #tpu.memory_space<vmem>> -> memref<48x224xf32, #tpu.memory_space<vmem>>
    %dma_wait3A_247 = arith.constant 0 : i32
    %dma_wait3A_248 = arith.constant 0 : i32
    %dma_wait3A_249 = tpu.memref_slice %arg4[%mul3A_2, %dma_wait3A_247, %dma_wait3A_248] : memref<1792x96x224xf32, #tpu.memory_space<hbm>> -> memref<1x48x224xf32, #tpu.memory_space<hbm>>
    %dma_wait3A_250 = tpu.memref_squeeze %dma_wait3A_249 : memref<1x48x224xf32, #tpu.memory_space<hbm>> -> memref<48x224xf32, #tpu.memory_space<hbm>>
    %dma_wait3A_251 = arith.constant 0 : i32
    %dma_wait3A_252 = arith.constant 0 : i32
    %dma_wait3A_253 = tpu.memref_slice %arg4[%mul3A_2, %dma_wait3A_251, %dma_wait3A_252] : memref<1792x96x224xf32, #tpu.memory_space<hbm>> -> memref<1x48x224xf32, #tpu.memory_space<hbm>>
    %dma_wait3A_254 = tpu.memref_squeeze %dma_wait3A_253 : memref<1x48x224xf32, #tpu.memory_space<hbm>> -> memref<48x224xf32, #tpu.memory_space<hbm>>
    %dma_wait3A_255 = arith.constant 0 : i32
    %dma_wait3A_256 = arith.constant 0 : i32
    %dma_wait3A_257 = tpu.memref_slice %arg6[%dma_wait3A_242, %dma_wait3A_255, %dma_wait3A_256] : memref<8x48x224xf32, #tpu.memory_space<vmem>> -> memref<1x48x224xf32, #tpu.memory_space<vmem>>
    %dma_wait3A_258 = tpu.memref_squeeze %dma_wait3A_257 : memref<1x48x224xf32, #tpu.memory_space<vmem>> -> memref<48x224xf32, #tpu.memory_space<vmem>>
    tpu.wait_dma2 semaphore(%arg21 : memref<!tpu.dma_semaphore, #tpu.memory_space<semaphore_mem>>) src(%dma_wait3A_258 : memref<48x224xf32, #tpu.memory_space<vmem>>) dst(%dma_wait3A_254 : memref<48x224xf32, #tpu.memory_space<hbm>>)
    %dma_wait3A_259 = arith.constant 7 : i32
    %dma_wait3A_260 = arith.constant 0 : i32
    %dma_wait3A_261 = arith.constant 0 : i32
    %dma_wait3A_262 = tpu.memref_slice %arg6[%dma_wait3A_259, %dma_wait3A_260, %dma_wait3A_261] : memref<8x48x224xf32, #tpu.memory_space<vmem>> -> memref<1x48x224xf32, #tpu.memory_space<vmem>>
    %dma_wait3A_263 = tpu.memref_squeeze %dma_wait3A_262 : memref<1x48x224xf32, #tpu.memory_space<vmem>> -> memref<48x224xf32, #tpu.memory_space<vmem>>
    %dma_wait3A_264 = arith.constant 0 : i32
    %dma_wait3A_265 = arith.constant 0 : i32
    %dma_wait3A_266 = tpu.memref_slice %arg4[%mul3A_2, %dma_wait3A_264, %dma_wait3A_265] : memref<1792x96x224xf32, #tpu.memory_space<hbm>> -> memref<1x48x224xf32, #tpu.memory_space<hbm>>
    %dma_wait3A_267 = tpu.memref_squeeze %dma_wait3A_266 : memref<1x48x224xf32, #tpu.memory_space<hbm>> -> memref<48x224xf32, #tpu.memory_space<hbm>>
    %dma_wait3A_268 = arith.constant 0 : i32
    %dma_wait3A_269 = arith.constant 0 : i32
    %dma_wait3A_270 = tpu.memref_slice %arg4[%mul3A_2, %dma_wait3A_268, %dma_wait3A_269] : memref<1792x96x224xf32, #tpu.memory_space<hbm>> -> memref<1x48x224xf32, #tpu.memory_space<hbm>>
    %dma_wait3A_271 = tpu.memref_squeeze %dma_wait3A_270 : memref<1x48x224xf32, #tpu.memory_space<hbm>> -> memref<48x224xf32, #tpu.memory_space<hbm>>
    %dma_wait3A_272 = arith.constant 0 : i32
    %dma_wait3A_273 = arith.constant 0 : i32
    %dma_wait3A_274 = tpu.memref_slice %arg6[%dma_wait3A_259, %dma_wait3A_272, %dma_wait3A_273] : memref<8x48x224xf32, #tpu.memory_space<vmem>> -> memref<1x48x224xf32, #tpu.memory_space<vmem>>
    %dma_wait3A_275 = tpu.memref_squeeze %dma_wait3A_274 : memref<1x48x224xf32, #tpu.memory_space<vmem>> -> memref<48x224xf32, #tpu.memory_space<vmem>>
    tpu.wait_dma2 semaphore(%arg22 : memref<!tpu.dma_semaphore, #tpu.memory_space<semaphore_mem>>) src(%dma_wait3A_275 : memref<48x224xf32, #tpu.memory_space<vmem>>) dst(%dma_wait3A_271 : memref<48x224xf32, #tpu.memory_space<hbm>>)
    return
  }
}

</mosaic_0001>

<sc_bundles>
// kernel: kernel.3.cloned.1.call-start
scs
__scs_entry_jumppad:
0x0: {  	(pc) =	sbr.rel $0x88, $3  }
0x1: {  	(tag) =	ssettag $0x0;
	lr =	simm.s32 $0x1  }
0x2: {  	[smem:$0x3FA0] =	sst lr;
	_ =	strace $0xD0000000  }
0x3: {  	_ = 	snop  }
0x4: {  	_ = 	snop  }
0x5: {  	_ = 	snop  }
0x6: {  	_ = 	snop  }
0x7: {  	_ = 	snop  }
__scs_overlays_trampoline_lowered:
0x8: {  	[smem:$0x3FAF] =	sst s0  }
0x9: {  	[smem:$0x3FB0] =	sst s1  }
0xa: {  	[smem:$0x3FB1] =	sst s2  }
0xb: {  	[smem:$0x3FB2] =	sst s3  }
0xc: {  	[smem:$0x3FB3] =	sst s4  }
0xd: {  	[smem:$0x3FB4] =	sst s5  }
0xe: {  	[smem:$0x3FB5] =	sst s6  }
0xf: {  	[smem:$0x3FB6] =	sst s7  }
0x10: {  	[smem:$0x3FB7] =	sst s8  }
0x11: {  	[smem:$0x3FB8] =	sst s9;
	s0 =	simm.s32 @!p0 $0x0  }
0x12: {  	s1 =	sld [smem:$0x3F9E];
	s0 =	simm.s32 @p0 $0x1  }
0x13: {  	[smem:$0x3FB9] =	sst s0;
	s0 =	simm.s32 @!p1 $0x0  }
0x14: {  	s2 =	sld [smem:$0x3F9D];
	s0 =	simm.s32 @p1 $0x1  }
0x15: {  	[smem:$0x3FBA] =	sst s0;
	s0 =	simm.s32 @!p2 $0x0  }
0x16: {  	s3 =	sld [smem:$0x3FDB];
	s0 =	simm.s32 @p2 $0x1  }
0x17: {  	s4 =	simm.s32 $0x1BF5;
	[smem:$0x3FBC] =	sst s0  }
0x18: {  	s0 =	sld [smem:$0x3F9F];
	_ =	swait.ge [sflag:s4], $0x0  }
0x19: {  	s7 =	sld [smem:$0x3FA0]  }
0x1a: {  	s8 =	sadd.s32 $0xFFFFE003, lr  }
0x1b: {  	s9 =	sadd.s32 $0xFFFFFEF7, lr;
	s5 =	simm.s32 $0xFFFFFFFF;
	p2 =	slt.u32 s8, $0xFFFFF086  }
0x1c: {  	p1 =	slt.u32 s9, $0xF7A;
	s5 =	simm.s32 @!p2 $0x0  }
0x1d: {  	s5 =	simm.s32 @p1 $0x1;
	p0 =	seq.s32 s7, s2  }
0x1e: {  	s7 =	smul.u32 @!p0 $0xF7A, s2;
	p2 =	seq.s32 @!p0 s5, $0x0  }
0x1f: {  	s9 =	smul.u32 $0xF7A, s1;
	s8 =	simm.s32 @!p0 $0x1BF5;
	p2 =	por !p2, p0  }
0x20: {  	[sflag:s8] =	ssyncset.s32 @!p0 $0xFFFFF086;
	s6 =	sadd.s32 @!p0 s3, s7;
	s7 =	simm.s32 @!p0 $0x108  }
0x21: {  	s3 =	sadd.s32 s3, s9;
	s6 =	sadd.s32 @!p0 $0x88, s6;
	s7 =	simm.s32 @p2 $0x1082  }
0x22: {  	[simem:s7], [sflag:s8] =	dma.local @!p0 [hbm:s6], $0xF7A  }
0x23: {  	s9 =	sor.u32 $0xD0000000, s2;
	s6 =	simm.s32 $0x108;
	_ =	swait.ge @!p0 [sflag:s8], $0x0  }
0x24: {  	s3 =	sadd.s32 $0x88, s3;
	s6 =	simm.s32 @!p1 $0x1082;
	[sflag:s4] =	ssyncset.s32 $0xFFFFF086  }
0x25: {  	[simem:s6], [sflag:s4] =	dma.local [hbm:s3], $0xF7A  }
0x26: {  	[smem:$0x3FA0] =	sst s1;
	(tag) =	ssettag s2;
	_ =	strace s9  }
0x27: {  	s1 =	sld [smem:$0x3FB0]  }
0x28: {  	s2 =	sld [smem:$0x3FB1]  }
0x29: {  	s4 =	sld [smem:$0x3FB3]  }
0x2a: {  	p0 =	seq.s32 s5, $0x0;
	s5 =	sld [smem:$0x3FB4]  }
0x2b: {  	s6 =	sld [smem:$0x3FB5]  }
0x2c: {  	s7 =	sld [smem:$0x3FB6]  }
0x2d: {  	s3 =	simm.s32 $0x108;
	s8 =	sld [smem:$0x3FB7]  }
0x2e: {  	s3 =	simm.s32 @!p0 $0x1082;
	s9 =	sld [smem:$0x3FB8]  }
0x2f: {  	lr =	sadd.s32 s0, s3;
	s0 =	sld [smem:$0x3FAF]  }
0x30: {  	s3 =	sld [smem:$0x3FB2]  }
0x31: {  	[smem:$0x3FBB] =	sst s10  }
0x32: {  	s10 =	sld [smem:$0x3FB9];
	_ =	sdelay $0x3  }
0x33: {  	p0 =	seq.s32 s10, $0x1;
	s10 =	sld [smem:$0x3FBB];
	_ =	sdelay $0x3  }
0x34: {  	[smem:$0x3FBB] =	sst s10  }
0x35: {  	s10 =	sld [smem:$0x3FBA];
	_ =	sdelay $0x3  }
0x36: {  	p1 =	seq.s32 s10, $0x1;
	s10 =	sld [smem:$0x3FBB];
	_ =	sdelay $0x3  }
0x37: {  	[smem:$0x3FBB] =	sst s10  }
0x38: {  	s10 =	sld [smem:$0x3FBC]  }
0x39: {  	_ = 	snop;
	(pc) =	sbr.ind lr, $3  }
0x3a: {  	_ = 	snop  }
0x3b: {  	_ = 	snop  }
0x3c: {  	p2 =	seq.s32 s10, $0x1;
	s10 =	sld [smem:$0x3FBB]  }
0x3d: {  	_ =	shalt  }
0x3e: {  	_ =	shalt  }
0x3f: {  	_ =	shalt  }
0x40: {  	_ =	shalt  }
0x41: {  	_ =	shalt  }
0x42: {  	_ =	shalt  }
0x43: {  	_ =	shalt  }
0x44: {  	_ =	shalt  }
0x45: {  	_ =	shalt  }
0x46: {  	_ =	shalt  }
0x47: {  	_ =	shalt  }
0x48: {  	_ =	shalt  }
0x49: {  	_ =	shalt  }
0x4a: {  	_ =	shalt  }
0x4b: {  	_ =	shalt  }
0x4c: {  	_ =	shalt  }
0x4d: {  	_ =	shalt  }
0x4e: {  	_ =	shalt  }
0x4f: {  	_ =	shalt  }
0x50: {  	_ =	shalt  }
0x51: {  	_ =	shalt  }
0x52: {  	_ =	shalt  }
0x53: {  	_ =	shalt  }
0x54: {  	_ =	shalt  }
0x55: {  	_ =	shalt  }
0x56: {  	_ =	shalt  }
0x57: {  	_ =	shalt  }
0x58: {  	_ =	shalt  }
0x59: {  	_ =	shalt  }
0x5a: {  	_ =	shalt  }
0x5b: {  	_ =	shalt  }
0x5c: {  	_ =	shalt  }
0x5d: {  	_ =	shalt  }
0x5e: {  	_ =	shalt  }
0x5f: {  	_ =	shalt  }
0x60: {  	_ =	shalt  }
0x61: {  	_ =	shalt  }
0x62: {  	_ =	shalt  }
0x63: {  	_ =	shalt  }
0x64: {  	_ =	shalt  }
0x65: {  	_ =	shalt  }
0x66: {  	_ =	shalt  }
0x67: {  	_ =	shalt  }
0x68: {  	_ =	shalt  }
0x69: {  	_ =	shalt  }
0x6a: {  	_ =	shalt  }
0x6b: {  	_ =	shalt  }
0x6c: {  	_ =	shalt  }
0x6d: {  	_ =	shalt  }
0x6e: {  	_ =	shalt  }
0x6f: {  	_ =	shalt  }
0x70: {  	_ =	shalt  }
0x71: {  	_ =	shalt  }
0x72: {  	_ =	shalt  }
0x73: {  	_ =	shalt  }
0x74: {  	_ =	shalt  }
0x75: {  	_ =	shalt  }
0x76: {  	_ =	shalt  }
0x77: {  	_ =	shalt  }
0x78: {  	_ =	shalt  }
0x79: {  	_ =	shalt  }
0x7a: {  	_ =	shalt  }
0x7b: {  	_ =	shalt  }
0x7c: {  	_ =	shalt  }
0x7d: {  	_ =	shalt  }
0x7e: {  	_ =	shalt  }
0x7f: {  	_ =	shalt  }
0x80: {  	_ =	shalt  }
0x81: {  	_ =	shalt  }
0x82: {  	_ =	shalt  }
0x83: {  	_ =	shalt  }
0x84: {  	_ =	shalt  }
0x85: {  	_ =	shalt  }
0x86: {  	_ =	shalt  }
0x87: {  	_ =	shalt  }
.Lfunc_end0:
.L_simem_size_0:
called_computation_lowered:
.L_overlay_start_0:
0x88: {  	s2 =	sld [smem:$0x3FD9]  }
0x89: {  	s3 =	sld [smem:$0x3FFE];
	_ =	sdelay $0x1  }
0x8a: {  	s1 =	srdreg.scid  }
0x8b: {  	s0 =	sand.u32 $0x1, s1  }
0x8c: {  	s17 =	sshll.u32 s0, $0xA;
	s2 =	sadd.s32 s3, s2  }
0x8d: {  	s2 =	sadd.s32 s2, s17  }
0x8e: {  	[smem:$0x3FC7] =	sst s2  }
0x8f: {  	_ = 	snop  }
0x90: {  	s2 =	sld [smem:$0x3FC9]  }
0x91: {  	s18 =	sld [smem:$0x3FD0];
	(tm) =	ssettm $0x1  }
0x92: {  	s4 =	sld [smem:$0x3FFB];
	_ =	sdelay $0x3  }
0x93: {  	_ =	strace s4  }
0x94: {  	s4 =	sld [smem:$0x3FFC];
	_ =	sdelay $0x3  }
0x95: {  	_ =	strace s4  }
0x96: {  	s4 =	sld [smem:$0x3FFD];
	_ =	sdelay $0x3  }
0x97: {  	_ =	strace s4  }
0x98: {  	_ =	strace $0x8FFFFFFF  }
0x99: {  	s19 =	sld [smem:$0x3FDB];
	_ =	sdelay $0x1  }
0x9a: {  	s5 =	simm.s32 $_scs_section_size  }
0x9b: {  	s6 =	simm.s32 $_size__tile_overlayer_lowered;
	s7 =	simm.s32 $_tile_overlayer_lowered  }
0x9c: {  	s22 =	simm.s32 $0x1BFF;
	s21 =	sshll.u32 s7, $0x1;
	s4 =	sadd.s32 s5, s19  }
0x9d: {  	s8 =	simm.s32 $0x0;
	s20 =	sshll.u32 s6, $0x1;
	s6 =	sadd.s32 s21, s4  }
0x9e: {  	[timem:s8], [sflag:s22] =	dma.local [hbm:s6], s20  }
0x9f: {  	_ =	swait.ge [sflag:s22], s20  }
0xa0: {  	s5 =	ssub.s32 $0x0, s20;
	[sflag:s22] =	ssyncset.done $0x0  }
0xa1: {  	[sflag:s22] =	ssyncadd.s32 s5;
	_ =	sdelay $0x1  }
0xa2: {  	s23 =	simm.s32 $0x1B8B  }
0xa3: {  	_ =	swait.ge [sflag:s23], $0x1  }
0xa4: {  	[sflag:s23] =	ssyncset.done $0x0  }
0xa5: {  	s25 =	simm.s32 $0x1B8E;
	s24 =	sld [smem:$0x3FFE];
	[sflag:s23] =	ssyncadd.s32 $0xFFFFFFFF  }
0xa6: {  	s26 =	simm.s32 $execute0_lowered;
	[smem:$0x3FD2] =	sst s25  }
0xa7: {  	s6 =	sshll.u32 s26, $0x1;
	_ =	strace $0x80000046;
	[dreg:$0x1] =	wrdreg $0xFFFFFFFF  }
0xa8: {  	s28 =	simm.s32 $_size_execute0_lowered;
	s4 =	sadd.s32 s4, s6;
	[dreg:$0x0] =	wrdreg $0x0  }
0xa9: {  	s6 =	sshll.u32 s28, $0x1;
	[dreg:$0x2] =	wrdreg s4  }
0xaa: {  	[dreg:$0x3] =	wrdreg s6  }
0xab: {  	[dreg:$0x4] =	wrdreg $0xC0  }
0xac: {  	_ =	task [dreg:s8], $0x5FFFF  }
0xad: {  	[dreg:$0x1] =	wrdreg $0xFFFFFFFF  }
0xae: {  	[dreg:$0x0] =	wrdreg $0x60  }
0xaf: {  	[dreg:$0x2] =	wrdreg s2  }
0xb0: {  	[dreg:$0x3] =	wrdreg s24  }
0xb1: {  	[dreg:$0x4] =	wrdreg s18  }
0xb2: {  	[dreg:$0x5] =	wrdreg $0x9  }
0xb3: {  	_ =	task.clear_ibuf [dreg:s8], $0x6FFFF;
	_ =	strace $0x90000046  }
0xb4: {  	s29 =	simm.s32 $0x9;
	_ =	strace $0x80000048  }
0xb5: {  	_ =	swait.ge [sflag:s29], $0x1  }
0xb6: {  	[sflag:s29] =	ssyncadd.s32 $0xFFFFFFFF  }
0xb7: {  	_ =	strace $0x90000048  }
0xb8: {  	_ =	sfence  }
0xb9: {  	s30 =	sld [smem:$0x0];
	_ =	sdelay $0x2  }
0xba: {  	s31 =	sshll.u32 s1, $0xD;
	s1 =	sshrl.u32 s1, $0x2  }
0xbb: {  	s3 =	sand.u32 $0x4000, s31;
	s1 =	sadd.s32 s1, s30  }
0xbc: {  	s0 =	sor.u32 s3, s0;
	s1 =	sshll.u32 s1, $0x11  }
0xbd: {  	s0 =	sor.u32 s1, s0  }
0xbe: {  	s0 =	sadd.s32 $0x8F2B, s0  }
0xbf: {  	[sflag:s0] =	ssyncadd.remote.s32 $0x1  }
0xc0: {  	_ =	sfence.sel $0xFFFF  }
0xc1: {  	[dreg:$0x0] =	wrdreg $0xFFFFFFFF;
	(pc) =	sbr.abs _section_cstart, $3  }
0xc2: {  	[dreg:$0x1] =	wrdreg $0xFFFFFFFF  }
0xc3: {  	_ =	task.clear_ibuf [dreg:s8], $0x2FFFF;
	_ =	strace $0x9FFFFFFF  }
0xc4: {  	(tm) =	ssettm $0x7FFFFFFF  }
0xc5: {  	_ =	shalt  }
tec
execute0_lowered:
.L_overlay_start_1:
0x0: {  	(tag) =	ssettag $0x1  }
0x1: {  	s1 =	rddreg [dreg:$0x0]  }
0x2: {  	s0 =	rddreg [dreg:$0x1]  }
0x3: {  	s2 =	rddreg [dreg:$0x2];
	s3 =	simm.s32 $0x0;
	s4 =	srdreg.scid  }
0x4: {  	s9 =	stileid.u32;
	s10 =	simm.s32 $0x6080;
	s11 =	simm.s32 $0x9080  }
0x5: {  	s12 =	simm.s32 $0xC080;
	s13 =	simm.s32 $0x1;
	s26 =	simm.s32 $0xF080  }
0x6: {  	s14 =	simm.s32 $0x2;
	s15 =	simm.s32 $0x12080;
	s16 =	simm.s32 $0x3  }
0x7: {  	s17 =	simm.s32 $0x15080;
	s18 =	simm.s32 $0x4;
	s19 =	simm.s32 $0x5  }
0x8: {  	s20 =	simm.s32 $0x7;
	s28 =	simm.s32 $0xE;
	s29 =	simm.s32 $0xF  }
0x9: {  	s30 =	simm.s32 $0x10;
	s31 =	simm.s32 $0x0;
	[smem:$0x7FF] =	sst s3  }
0xa: {  	s4 =	sand.u32 $0x1, s4;
	s5 =	sshll.u32 s9, $0x4;
	s7 =	smul.u32 $0x2A0000, s9  }
0xb: {  	s25 =	smul.u32 $0x54000, s9;
	s9 =	simm.s32 $0x3080;
	s6 =	sshll.u32 s4, $0x3  }
0xc: {  	s21 =	ssub.s32 $0x2, s4;
	s8 =	smul.u32 $0x150000, s4;
	_ =	strace $0x80000047  }
0xd: {  	s4 =	smul.u32 $0x2A000, s4;
	[dreg:$0x6] =	wrdreg s26;
	s5 =	sor.u32 s6, s5  }
0xe: {  	s26 =	simm.s32 $0xD;
	s22 =	sshrl.u32 s21, $0x1;
	s0 =	sadd.s32 s5, s0  }
0xf: {  	s5 =	ssub.s32 s21, s22;
	s23 =	sadd.s32 s8, s7;
	s0 =	sadd.s32 $0x400, s0  }
0x10: {  	s5 =	smax.u32 s5, $0x1;
	s24 =	sadd.s32 $0x15000, s23;
	[dreg:$0x7] =	wrdreg s0  }
0x11: {  	[dreg:$0x8] =	wrdreg s5;
	s5 =	sshrl.u32 s24, $0x3;
	s0 =	sor.u32 $0x9000, s23  }
0x12: {  	s6 =	sadd.s32 s25, s2;
	s5 =	sadd.s32 s5, s2;
	s0 =	sshrl.u32 s0, $0x3  }
0x13: {  	s6 =	sadd.s32 s4, s6;
	[dreg:$0x4] =	wrdreg s5;
	s0 =	sadd.s32 s0, s2  }
0x14: {  	vm0 =	vmmov $0x1;
	vm1 =	vcmask $0x308;
	v0 =	vlaneseq.u32;
	s8 =	simm.s32 $0x80;
	s21 =	simm.s32 $0x8;
	[dreg:$0x5] =	wrdreg s0  }
.LBB2_1:
0x15: {  	s0 =	rddreg [dreg:$0x7];
	s7 =	simm.s32 $0x11  }
0x16: {  	[tilespmem:s3], [sflag:$0x11] =	stream.linear.gather [hbm4b:s0+s3], $0x40, $0x38;
	[tilespmem:$0x18080] =	vst v63  }
0x17: {  	_ =	swait.ge [sflag:s7], $0x40  }
0x18: {  	[sflag:s7] =	ssyncset.done $0x0  }
0x19: {  	[sflag:s7] =	ssyncadd.s32 $0xFFFFFFC0  }
0x1a: {  	v1 =	vld [tilespmem:$0x0];
	_ =	sdelay $0x4  }
0x1b: {  	v1 =	vnsel vm0, $0x0, v1  }
0x1c: {  	v1 =	vxor.u32 $0x80000000, v1  }
0x1d: {  	(xrf0) =	vmax.scan.msk.u32 $0xffff, v1;
	_ =	sdelay $0x5  }
0x1e: {  	v1, _, _ =	vpop (xrf0)  }
0x1f: {  	(v2sf) =	vpush v1, $0xF;
	_ =	sdelay $0xe  }
0x20: {  	s22 =	spop (v2sf)  }
0x21: {  	s0 =	smul.u32 $0x6000, s22;
	_ =	sdelay $0x1  }
0x22: {  	s0 =	sshrl.u32 s0, $0x3  }
0x23: {  	s0 =	sadd.s32 s1, s0  }
0x24: {  	[tilespmem:s8], [sflag:$0x1] =	stream.linear.gather [hbm4b:s0+s3], $0x3000, $0x38;
	[tilespmem:$0x18080] =	vst v63  }
0x25: {  	v1 =	vld [tilespmem:$0x0];
	_ =	sdelay $0x4  }
0x26: {  	v1 =	vnsel vm0, $0x0, v1  }
0x27: {  	v1 =	vxor.u32 $0x80000000, v1  }
0x28: {  	(xrf0) =	vmax.scan.msk.u32 $0xffff, v1;
	_ =	sdelay $0x5  }
0x29: {  	v1, _, _ =	vpop (xrf0)  }
0x2a: {  	(v2sf) =	vpush v1, $0xF;
	_ =	sdelay $0xe  }
0x2b: {  	s23 =	spop (v2sf)  }
0x2c: {  	s0 =	smul.u32 $0x6000, s23;
	_ =	sdelay $0x1  }
0x2d: {  	s0 =	sadd.s32 $0x3000, s0  }
0x2e: {  	s0 =	sshrl.u32 s0, $0x3  }
0x2f: {  	s0 =	sadd.s32 s1, s0  }
0x30: {  	[tilespmem:s9], [sflag:$0x2] =	stream.linear.gather [hbm4b:s0+s3], $0x3000, $0x38;
	[tilespmem:$0x18080] =	vst v63  }
0x31: {  	v1 =	vld [tilespmem:$0x0];
	_ =	sdelay $0x4  }
0x32: {  	v1 =	vsel vm1, $0x0, v1  }
0x33: {  	v1 =	vxor.u32 $0x80000000, v1  }
0x34: {  	(xrf0) =	vmax.scan.msk.u32 $0xffff, v1;
	_ =	sdelay $0x5  }
0x35: {  	v1, _, _ =	vpop (xrf0)  }
0x36: {  	(v2sf) =	vpush v1, $0xF;
	_ =	sdelay $0xe  }
0x37: {  	s24 =	spop (v2sf)  }
0x38: {  	s0 =	smul.u32 $0x6000, s24;
	_ =	sdelay $0x1  }
0x39: {  	s0 =	sshrl.u32 s0, $0x3  }
0x3a: {  	s0 =	sadd.s32 s1, s0  }
0x3b: {  	[tilespmem:s10], [sflag:$0x3] =	stream.linear.gather [hbm4b:s0+s3], $0x3000, $0x38;
	[tilespmem:$0x18080] =	vst v63  }
0x3c: {  	v1 =	vld [tilespmem:$0x0];
	_ =	sdelay $0x4  }
0x3d: {  	v1 =	vsel vm1, $0x0, v1  }
0x3e: {  	v1 =	vxor.u32 $0x80000000, v1  }
0x3f: {  	(xrf0) =	vmax.scan.msk.u32 $0xffff, v1;
	_ =	sdelay $0x5  }
0x40: {  	v1, _, _ =	vpop (xrf0)  }
0x41: {  	(v2sf) =	vpush v1, $0xF;
	_ =	sdelay $0xe  }
0x42: {  	s25 =	spop (v2sf)  }
0x43: {  	s0 =	smul.u32 $0x6000, s25;
	_ =	sdelay $0x1  }
0x44: {  	s0 =	sadd.s32 $0x3000, s0  }
0x45: {  	s0 =	sshrl.u32 s0, $0x3  }
0x46: {  	s0 =	sadd.s32 s1, s0  }
0x47: {  	[tilespmem:s11], [sflag:$0x4] =	stream.linear.gather [hbm4b:s0+s3], $0x3000, $0x38;
	[tilespmem:$0x18080] =	vst v63  }
0x48: {  	s2 =	simm.s32 $0x5;
	s4 =	simm.s32 $0x0;
	s0 =	simm.s32 $0x14  }
.LBB2_2:
0x49: {  	p0 =	seq.s32 s4, $0x0  }
0x4a: {  	s5 =	simm.s32 @!p0 $0xD  }
0x4b: {  	s7 =	sadd.s32 $0xFFFFFFEC, s0;
	_ =	swait.ge @!p0 [sflag:s5], $0x3000  }
0x4c: {  	s7 =	sand.u32 $0xC0, s7;
	[sflag:s5] =	ssyncset.done @!p0 $0x0  }
0x4d: {  	s7 =	sshrl.u32 s7, $0x2;
	[sflag:s5] =	ssyncadd.s32 @!p0 $0xFFFFD000  }
0x4e: {  	v1 =	vld [tilespmem:s7+$0x0]  }
0x4f: {  	s22 =	sadd.s32 $0xFFFFFFFB, s2  }
0x50: {  	s22 =	sand.u32 $0xC, s22  }
0x51: {  	s5 =	sor.u32 $0x2, s22  }
0x52: {  	v2 =	vmov s5  }
0x53: {  	vm2 =	veq.s32 v2, v0;
	v1 =	vxor.u32 $0x80000000, v1  }
0x54: {  	v1 =	vnsel vm2, $0x80000000, v1  }
0x55: {  	(xrf0) =	vmax.scan.msk.u32 $0xffff, v1;
	_ =	sdelay $0x5  }
0x56: {  	v1, _, _ =	vpop (xrf0)  }
0x57: {  	(v2sf) =	vpush v1, $0xF;
	_ =	sdelay $0xe  }
0x58: {  	s23 =	spop (v2sf)  }
0x59: {  	s5 =	smul.u32 $0x6000, s23;
	_ =	sdelay $0x1  }
0x5a: {  	s5 =	sshrl.u32 s5, $0x3  }
0x5b: {  	s5 =	sadd.s32 s1, s5  }
0x5c: {  	[tilespmem:s12], [sflag:$0x5] =	stream.linear.gather [hbm4b:s5+s3], $0x3000, $0x38;
	[tilespmem:$0x18080] =	vst v63  }
0x5d: {  	_ =	swait.ge [sflag:s13], $0x3000  }
0x5e: {  	[sflag:s13] =	ssyncset.done $0x0  }
0x5f: {  	s23 =	simm.s32 @!p0 $0xE;
	s5 =	sadd.s32 s4, s6;
	[sflag:s13] =	ssyncadd.s32 $0xFFFFD000  }
0x60: {  	[hbm4b:s5+s3] =	stream.linear.scatter [tilespmem:s8], [sflag:$0x9], $0x3000, $0x38;
	[tilespmem:$0x18080] =	vst v63  }
0x61: {  	_ =	swait.ge @!p0 [sflag:s23], $0x3000  }
0x62: {  	[sflag:s23] =	ssyncset.done @!p0 $0x0  }
0x63: {  	[sflag:s23] =	ssyncadd.s32 @!p0 $0xFFFFD000  }
0x64: {  	v1 =	vld [tilespmem:s7+$0x0];
	_ =	sdelay $0x4  }
0x65: {  	v1 =	vxor.u32 $0x80000000, v1  }
0x66: {  	v1 =	vnsel vm2, $0x80000000, v1  }
0x67: {  	(xrf0) =	vmax.scan.msk.u32 $0xffff, v1;
	_ =	sdelay $0x5  }
0x68: {  	v1, _, _ =	vpop (xrf0)  }
0x69: {  	(v2sf) =	vpush v1, $0xF;
	_ =	sdelay $0xe  }
0x6a: {  	s24 =	spop (v2sf)  }
0x6b: {  	s23 =	smul.u32 $0x6000, s24;
	_ =	sdelay $0x1  }
0x6c: {  	s23 =	sadd.s32 $0x3000, s23  }
0x6d: {  	s23 =	sshrl.u32 s23, $0x3  }
0x6e: {  	s24 =	rddreg [dreg:$0x6];
	s23 =	sadd.s32 s1, s23  }
0x6f: {  	[tilespmem:s24], [sflag:$0x6] =	stream.linear.gather [hbm4b:s23+s3], $0x3000, $0x38;
	[tilespmem:$0x18080] =	vst v63  }
0x70: {  	_ =	swait.ge [sflag:s14], $0x3000  }
0x71: {  	[sflag:s14] =	ssyncset.done $0x0  }
0x72: {  	s25 =	sadd.s32 $0x600, s5;
	s23 =	simm.s32 @!p0 $0xF;
	[sflag:s14] =	ssyncadd.s32 $0xFFFFD000  }
0x73: {  	[hbm4b:s25+s3] =	stream.linear.scatter [tilespmem:s9], [sflag:$0xA], $0x3000, $0x38;
	[tilespmem:$0x18080] =	vst v63  }
0x74: {  	_ =	swait.ge @!p0 [sflag:s23], $0x3000  }
0x75: {  	[sflag:s23] =	ssyncset.done @!p0 $0x0  }
0x76: {  	[sflag:s23] =	ssyncadd.s32 @!p0 $0xFFFFD000  }
0x77: {  	v1 =	vld [tilespmem:s7+$0x0];
	_ =	sdelay $0x2  }
0x78: {  	s22 =	sor.u32 $0x3, s22  }
0x79: {  	v2 =	vmov s22  }
0x7a: {  	vm2 =	veq.s32 v2, v0;
	v1 =	vxor.u32 $0x80000000, v1  }
0x7b: {  	v1 =	vnsel vm2, $0x80000000, v1  }
0x7c: {  	(xrf0) =	vmax.scan.msk.u32 $0xffff, v1;
	_ =	sdelay $0x5  }
0x7d: {  	v1, _, _ =	vpop (xrf0)  }
0x7e: {  	(v2sf) =	vpush v1, $0xF;
	_ =	sdelay $0xe  }
0x7f: {  	s24 =	spop (v2sf)  }
0x80: {  	s22 =	smul.u32 $0x6000, s24;
	_ =	sdelay $0x1  }
0x81: {  	s22 =	sshrl.u32 s22, $0x3  }
0x82: {  	s22 =	sadd.s32 s1, s22  }
0x83: {  	[tilespmem:s15], [sflag:$0x7] =	stream.linear.gather [hbm4b:s22+s3], $0x3000, $0x38;
	[tilespmem:$0x18080] =	vst v63  }
0x84: {  	_ =	swait.ge [sflag:s16], $0x3000  }
0x85: {  	[sflag:s16] =	ssyncset.done $0x0  }
0x86: {  	s25 =	sadd.s32 $0xC00, s5;
	s22 =	simm.s32 @!p0 $0x10;
	[sflag:s16] =	ssyncadd.s32 $0xFFFFD000  }
0x87: {  	[hbm4b:s25+s3] =	stream.linear.scatter [tilespmem:s10], [sflag:$0xB], $0x3000, $0x38;
	[tilespmem:$0x18080] =	vst v63  }
0x88: {  	_ =	swait.ge @!p0 [sflag:s22], $0x3000  }
0x89: {  	[sflag:s22] =	ssyncset.done @!p0 $0x0  }
0x8a: {  	[sflag:s22] =	ssyncadd.s32 @!p0 $0xFFFFD000  }
0x8b: {  	v1 =	vld [tilespmem:s7+$0x0];
	_ =	sdelay $0x4  }
0x8c: {  	v1 =	vxor.u32 $0x80000000, v1  }
0x8d: {  	v1 =	vnsel vm2, $0x80000000, v1  }
0x8e: {  	(xrf0) =	vmax.scan.msk.u32 $0xffff, v1;
	_ =	sdelay $0x5  }
0x8f: {  	v1, _, _ =	vpop (xrf0)  }
0x90: {  	(v2sf) =	vpush v1, $0xF;
	_ =	sdelay $0xe  }
0x91: {  	s22 =	spop (v2sf)  }
0x92: {  	s7 =	smul.u32 $0x6000, s22;
	_ =	sdelay $0x1  }
0x93: {  	s7 =	sadd.s32 $0x3000, s7  }
0x94: {  	s7 =	sshrl.u32 s7, $0x3  }
0x95: {  	s7 =	sadd.s32 s1, s7  }
0x96: {  	[tilespmem:s17], [sflag:$0x8] =	stream.linear.gather [hbm4b:s7+s3], $0x3000, $0x38;
	[tilespmem:$0x18080] =	vst v63  }
0x97: {  	_ =	swait.ge [sflag:s18], $0x3000  }
0x98: {  	s23 =	rddreg [dreg:$0x5];
	[sflag:s18] =	ssyncset.done $0x0  }
0x99: {  	p0 =	seq.s32 s4, $0x27000;
	[sflag:s18] =	ssyncadd.s32 $0xFFFFD000;
	s7 =	sadd.s32 s4, s23  }
0x9a: {  	[hbm4b:s7+s3] =	stream.linear.scatter [tilespmem:s11], [sflag:$0xC], $0x3000, $0x38;
	[tilespmem:$0x18080] =	vst v63  }
0x9b: {  	s7 =	simm.s32 @!p0 $0x9  }
0x9c: {  	s22 =	sadd.s32 @!p0 $0xFFFFFFFC, s0;
	_ =	swait.ge @!p0 [sflag:s7], $0x3000  }
0x9d: {  	s22 =	sand.u32 @!p0 $0x1C0, s22;
	[sflag:s7] =	ssyncset.done @!p0 $0x0  }
0x9e: {  	s22 =	sshrl.u32 @!p0 s22, $0x2;
	[sflag:s7] =	ssyncadd.s32 @!p0 $0xFFFFD000  }
0x9f: {  	v1 =	vld @!p0 [tilespmem:s22+$0x0];
	_ =	sdelay $0x1  }
0xa0: {  	s7 =	sadd.s32 @!p0 $0xFFFFFFFF, s2  }
0xa1: {  	s7 =	sand.u32 @!p0 $0xC, s7  }
0xa2: {  	v3 =	vlaneseq.u32 @!p0;
	v2 =	vmov @!p0 s7  }
0xa3: {  	vm2 =	veq.s32 @!p0 v2, v3;
	v1 =	vxor.u32 @!p0 $0x80000000, v1  }
0xa4: {  	v1 =	vnsel @!p0 vm2, $0x80000000, v1  }
0xa5: {  	(xrf0) =	vmax.scan.msk.u32 @!p0 $0xffff, v1;
	_ =	sdelay $0x5  }
0xa6: {  	v1, _, _ =	vpop @!p0 (xrf0)  }
0xa7: {  	(v2sf) =	vpush @!p0 v1, $0xF;
	_ =	sdelay $0xe  }
0xa8: {  	s7 =	spop @!p0 (v2sf)  }
0xa9: {  	s7 =	smul.u32 @!p0 $0x6000, s7;
	_ =	sdelay $0x1  }
0xaa: {  	s7 =	sshrl.u32 @!p0 s7, $0x3  }
0xab: {  	s24 =	simm.s32 @!p0 $0x80;
	s23 =	sadd.s32 @!p0 s1, s7;
	s7 =	simm.s32 @!p0 $0x0  }
0xac: {  	[tilespmem:s24], [sflag:$0x1] =	stream.linear.gather @!p0 [hbm4b:s23+s7], $0x3000, $0x38;
	[tilespmem:$0x18080] =	vst v63  }
0xad: {  	_ =	swait.ge [sflag:s19], $0x3000  }
0xae: {  	[sflag:s19] =	ssyncset.done $0x0  }
0xaf: {  	s24 =	sadd.s32 $0x1800, s5;
	s23 =	simm.s32 @p0 $0x6;
	[sflag:s19] =	ssyncadd.s32 $0xFFFFD000  }
0xb0: {  	[hbm4b:s24+s3] =	stream.linear.scatter [tilespmem:s12], [sflag:$0xD], $0x3000, $0x38;
	[tilespmem:$0x18080] =	vst v63  }
0xb1: {  	_ =	swait.ge @p0 [sflag:s23], $0x3000  }
0xb2: {  	[sflag:s23] =	ssyncset.done @p0 $0x0  }
0xb3: {  	[sflag:s23] =	ssyncadd.s32 @p0 $0xFFFFD000;
	s23 =	sadd.s32 @p0 s4, s6  }
0xb4: {  	s25 =	simm.s32 @p0 $0xF080;
	s24 =	simm.s32 @p0 $0x0;
	s23 =	sadd.s32 @p0 $0x1E00, s23  }
0xb5: {  	[hbm4b:s23+s24] =	stream.linear.scatter @p0 [tilespmem:s25], [sflag:$0xE], $0x3000, $0x38;
	[tilespmem:$0x18080] =	vst v63  }
0xb6: {  	s23 =	simm.s32 @!p0 $0xA  }
0xb7: {  	_ =	swait.ge @!p0 [sflag:s23], $0x3000  }
0xb8: {  	[sflag:s23] =	ssyncset.done @!p0 $0x0  }
0xb9: {  	[sflag:s23] =	ssyncadd.s32 @!p0 $0xFFFFD000  }
0xba: {  	v1 =	vld @!p0 [tilespmem:s22+$0x0];
	_ =	sdelay $0x4  }
0xbb: {  	v1 =	vxor.u32 @!p0 $0x80000000, v1  }
0xbc: {  	v1 =	vnsel @!p0 vm2, $0x80000000, v1  }
0xbd: {  	(xrf0) =	vmax.scan.msk.u32 @!p0 $0xffff, v1;
	_ =	sdelay $0x5  }
0xbe: {  	v1, _, _ =	vpop @!p0 (xrf0)  }
0xbf: {  	(v2sf) =	vpush @!p0 v1, $0xF;
	_ =	sdelay $0xe  }
0xc0: {  	s22 =	spop @!p0 (v2sf)  }
0xc1: {  	s22 =	smul.u32 @!p0 $0x6000, s22;
	_ =	sdelay $0x1  }
0xc2: {  	s22 =	sadd.s32 @!p0 $0x3000, s22  }
0xc3: {  	s22 =	sshrl.u32 @!p0 s22, $0x3  }
0xc4: {  	s23 =	simm.s32 @!p0 $0x3080;
	s22 =	sadd.s32 @!p0 s1, s22  }
0xc5: {  	[tilespmem:s23], [sflag:$0x2] =	stream.linear.gather @!p0 [hbm4b:s22+s7], $0x3000, $0x38;
	[tilespmem:$0x18080] =	vst v63  }
0xc6: {  	s22 =	simm.s32 @!p0 $0x6  }
0xc7: {  	_ =	swait.ge @!p0 [sflag:s22], $0x3000  }
0xc8: {  	s23 =	sadd.s32 @!p0 s4, s6;
	[sflag:s22] =	ssyncset.done @!p0 $0x0  }
0xc9: {  	[sflag:s22] =	ssyncadd.s32 @!p0 $0xFFFFD000;
	s22 =	sadd.s32 @!p0 $0x1E00, s23;
	s23 =	simm.s32 @!p0 $0xF080  }
0xca: {  	[hbm4b:s22+s7] =	stream.linear.scatter @!p0 [tilespmem:s23], [sflag:$0xE], $0x3000, $0x38;
	[tilespmem:$0x18080] =	vst v63  }
0xcb: {  	s22 =	simm.s32 @!p0 $0xB  }
0xcc: {  	_ =	swait.ge @!p0 [sflag:s22], $0x3000  }
0xcd: {  	s23 =	sand.u32 @!p0 $0x1C0, s0;
	[sflag:s22] =	ssyncset.done @!p0 $0x0  }
0xce: {  	[sflag:s22] =	ssyncadd.s32 @!p0 $0xFFFFD000;
	s22 =	sshrl.u32 @!p0 s23, $0x2  }
0xcf: {  	v1 =	vld @!p0 [tilespmem:s22+$0x0];
	_ =	sdelay $0x2  }
0xd0: {  	s23 =	sand.u32 @!p0 $0xD, s2  }
0xd1: {  	v2 =	vmov @!p0 s23  }
0xd2: {  	vm2 =	veq.s32 @!p0 v2, v3;
	v1 =	vxor.u32 @!p0 $0x80000000, v1  }
0xd3: {  	v1 =	vnsel @!p0 vm2, $0x80000000, v1  }
0xd4: {  	(xrf0) =	vmax.scan.msk.u32 @!p0 $0xffff, v1;
	_ =	sdelay $0x5  }
0xd5: {  	v1, _, _ =	vpop @!p0 (xrf0)  }
0xd6: {  	(v2sf) =	vpush @!p0 v1, $0xF;
	_ =	sdelay $0xe  }
0xd7: {  	s23 =	spop @!p0 (v2sf)  }
0xd8: {  	s23 =	smul.u32 @!p0 $0x6000, s23;
	_ =	sdelay $0x1  }
0xd9: {  	s23 =	sshrl.u32 @!p0 s23, $0x3  }
0xda: {  	s24 =	simm.s32 @!p0 $0x6080;
	s23 =	sadd.s32 @!p0 s1, s23  }
0xdb: {  	[tilespmem:s24], [sflag:$0x3] =	stream.linear.gather @!p0 [hbm4b:s23+s7], $0x3000, $0x38;
	[tilespmem:$0x18080] =	vst v63  }
0xdc: {  	_ =	swait.ge [sflag:s20], $0x3000  }
0xdd: {  	[sflag:s20] =	ssyncset.done $0x0  }
0xde: {  	s5 =	sadd.s32 $0x2400, s5;
	[sflag:s20] =	ssyncadd.s32 $0xFFFFD000  }
0xdf: {  	[hbm4b:s5+s3] =	stream.linear.scatter [tilespmem:s15], [sflag:$0xF], $0x3000, $0x38;
	[tilespmem:$0x18080] =	vst v63  }
0xe0: {  	s5 =	simm.s32 @!p0 $0xC  }
0xe1: {  	_ =	swait.ge @!p0 [sflag:s5], $0x3000  }
0xe2: {  	[sflag:s5] =	ssyncset.done @!p0 $0x0  }
0xe3: {  	[sflag:s5] =	ssyncadd.s32 @!p0 $0xFFFFD000  }
0xe4: {  	v1 =	vld @!p0 [tilespmem:s22+$0x0];
	_ =	sdelay $0x4  }
0xe5: {  	v1 =	vxor.u32 @!p0 $0x80000000, v1  }
0xe6: {  	v1 =	vnsel @!p0 vm2, $0x80000000, v1  }
0xe7: {  	(xrf0) =	vmax.scan.msk.u32 @!p0 $0xffff, v1;
	_ =	sdelay $0x5  }
0xe8: {  	v1, _, _ =	vpop @!p0 (xrf0)  }
0xe9: {  	(v2sf) =	vpush @!p0 v1, $0xF;
	_ =	sdelay $0xe  }
0xea: {  	s5 =	spop @!p0 (v2sf)  }
0xeb: {  	s5 =	smul.u32 @!p0 $0x6000, s5;
	_ =	sdelay $0x1  }
0xec: {  	s5 =	sadd.s32 @!p0 $0x3000, s5  }
0xed: {  	s5 =	sshrl.u32 @!p0 s5, $0x3  }
0xee: {  	s22 =	simm.s32 @!p0 $0x9080;
	s5 =	sadd.s32 @!p0 s1, s5  }
0xef: {  	[tilespmem:s22], [sflag:$0x4] =	stream.linear.gather @!p0 [hbm4b:s5+s7], $0x3000, $0x38;
	[tilespmem:$0x18080] =	vst v63  }
0xf0: {  	_ =	swait.ge [sflag:s21], $0x3000  }
0xf1: {  	s25 =	rddreg [dreg:$0x4]  }
0xf2: {  	s5 =	sadd.s32 s4, s25;
	s4 =	sadd.s32 $0x3000, s4  }
0xf3: {  	p0 =	sne.s32 s4, $0x2A000  }
.Ltmp0:
0xf4: {  	_ = 	snop;
	(pc) =	sbr.rel @p0 .LBB2_2-.Ltmp0, $4  }
0xf5: {  	_ = 	snop  }
0xf6: {  	[sflag:s21] =	ssyncset.done $0x0  }
0xf7: {  	s0 =	sadd.s32 $0x10, s0;
	s2 =	sadd.s32 $0x4, s2;
	[sflag:s21] =	ssyncadd.s32 $0xFFFFD000  }
0xf8: {  	[hbm4b:s5+s3] =	stream.linear.scatter [tilespmem:s17], [sflag:$0x10], $0x3000, $0x38;
	[tilespmem:$0x18080] =	vst v63  }
0xf9: {  	s0 =	simm.s32 $0x9  }
0xfa: {  	_ =	swait.ge [sflag:s0], $0x3000  }
0xfb: {  	[sflag:s0] =	ssyncset.done $0x0  }
0xfc: {  	s22 =	simm.s32 $0xA;
	[sflag:s0] =	ssyncadd.s32 $0xFFFFD000  }
0xfd: {  	_ =	swait.ge [sflag:s22], $0x3000  }
0xfe: {  	[sflag:s22] =	ssyncset.done $0x0  }
0xff: {  	s23 =	simm.s32 $0xB;
	[sflag:s22] =	ssyncadd.s32 $0xFFFFD000  }
0x100: {  	_ =	swait.ge [sflag:s23], $0x3000  }
0x101: {  	[sflag:s23] =	ssyncset.done $0x0  }
0x102: {  	s24 =	simm.s32 $0xC;
	[sflag:s23] =	ssyncadd.s32 $0xFFFFD000  }
0x103: {  	_ =	swait.ge [sflag:s24], $0x3000  }
0x104: {  	[sflag:s24] =	ssyncset.done $0x0  }
0x105: {  	[sflag:s24] =	ssyncadd.s32 $0xFFFFD000  }
0x106: {  	_ =	swait.ge [sflag:s26], $0x3000  }
0x107: {  	[sflag:s26] =	ssyncset.done $0x0  }
0x108: {  	[sflag:s26] =	ssyncadd.s32 $0xFFFFD000  }
0x109: {  	_ =	swait.ge [sflag:s28], $0x3000  }
0x10a: {  	[sflag:s28] =	ssyncset.done $0x0  }
0x10b: {  	[sflag:s28] =	ssyncadd.s32 $0xFFFFD000  }
0x10c: {  	_ =	swait.ge [sflag:s29], $0x3000  }
0x10d: {  	[sflag:s29] =	ssyncset.done $0x0  }
0x10e: {  	[sflag:s29] =	ssyncadd.s32 $0xFFFFD000  }
0x10f: {  	_ =	swait.ge [sflag:s30], $0x3000  }
0x110: {  	s31 =	sadd.s32 $0x1, s31;
	s25 =	rddreg [dreg:$0x8]  }
0x111: {  	p0 =	sne.s32 s31, s25  }
.Ltmp1:
0x112: {  	_ = 	snop;
	(pc) =	sbr.rel @p0 .LBB2_1-.Ltmp1, $3  }
0x113: {  	_ =	sdelay $0x1  }
0x114: {  	[sflag:s30] =	ssyncset.done $0x0  }
0x115: {  	[sflag:s30] =	ssyncadd.s32 $0xFFFFD000  }
0x116: {  	_ =	sfence.sel $0x180000  }
0x117: {  	[bflag:$0x0] =	sbarrier.arrive $0xFFFF  }
0x118: {  	_ =	strace $0x90000047  }
0x119: {  	s0 =	stileid.u32;
	[bflag:$0x2] =	sbarrier.arrive $0xFFFF  }
0x11a: {  	p0 =	sne.s32 s0, $0x0;
	s0 =	rddreg [dreg:$0x3]  }
0x11b: {  	s0 =	sadd.s32 @!p0 $0x100000, s0  }
0x11c: {  	[sflag:s0] =	ssyncadd.tile.s32 @!p0 $0x1;
	_ =	shalt  }
.Lfunc_end2:
_tile_overlayer_lowered:
.L_overlay_start_2:
0x11d: {  	(tag) =	ssettag $0x2  }
0x11e: {  	s0 =	rddreg [dreg:$0x0];
	s2 =	stileid.u32  }
0x11f: {  	s1 =	rddreg [dreg:$0x1];
	p0 =	sne.s32 s2, $0x0  }
0x120: {  	s3 =	rddreg [dreg:$0x2];
	[bflag:$0x3] =	sbarrier.arrive $0xFFFF;
	s2 =	simm.s32 @!p0 $0x1C11  }
0x121: {  	[timem:s3], [sflag:s2] =	dma.local @!p0 [hbm:s0], s1  }
0x122: {  	s0 =	simm.s32 @!p0 $0x11  }
0x123: {  	_ =	swait.ge @!p0 [sflag:s0], s1  }
0x124: {  	s1 =	ssub.s32 @!p0 $0x0, s1;
	[sflag:s0] =	ssyncset.done @!p0 $0x0  }
0x125: {  	[sflag:s0] =	ssyncadd.s32 @!p0 s1  }
0x126: {  	[bflag:$0x3] =	sbarrier.arrive $0xFFFF  }
0x127: {  	_ =	shalt  }

</sc_bundles>
